<compile_context>
chip_gen: v7x
topology: tpu7x:2x2x1
jax: 0.10.2.dev20260603
libtpu: 0.0.44.dev20260713+nightly
codegen_flags: <defaults>
</compile_context>

<pallas_src>
import functools

import jax
import jax.numpy as jnp
from jax import lax
from jax.experimental import pallas as pl
from jax.experimental.pallas import tpu as pltpu
from jax.experimental.pallas import tpu_sc as plsc

_DIM = 128
_MAXU = 64
_BATCH = 16384
_L = 16
_NC = 2
_NS = 16
_NW = _NC * _NS
_BPW = _BATCH // _NW
_HPW = _BATCH // _NS
_CHUNK = 64
_NCHUNK = _BPW // _CHUNK


def _body(fl_hbm, w_hbm, out_hbm,
          flh_v, hist_v, histall_v, rank_v, idx2_v, rows_v,
          w_sh, hist_sh, sem_flh, sem_flm, sem_rows, sem_g,
          sem_g4, sem_g5, sem_g6, sem_g7, sem_wb):
    sid = lax.axis_index("s")
    wid = sid * _NC + lax.axis_index("c")
    base = wid * _BPW

    cp_flh = pltpu.async_copy(fl_hbm.at[pl.ds(sid * _HPW, _HPW)], flh_v, sem_flh)
    cbase = lax.axis_index("c") * _BPW

    rpw = _MAXU // _NS
    pltpu.sync_copy(
        w_hbm.at[pl.ds(sid * rpw, rpw)], w_sh.at[pl.ds(sid * rpw, rpw)]
    )

    zeros = jnp.zeros((_L,), jnp.int32)
    for j in range(_MAXU // _L):
        hist_v[pl.ds(j * _L, _L)] = zeros

    ones = jnp.ones((_L,), jnp.int32)
    cp_flh.wait()
    for i in range(_HPW // _L):
        v = flh_v[pl.ds(i * _L, _L)]
        plsc.store_scatter(hist_v, [v], ones)

    pltpu.sync_copy(hist_v, hist_sh.at[sid, pl.ds(0, _MAXU)])
    plsc.subcore_barrier()
    pltpu.sync_copy(hist_sh, histall_v)

    running = jnp.int32(0)
    for j in range(_MAXU // _L):
        acc = zeros
        for t in range(_NS):
            acc = acc + histall_v[t, pl.ds(j * _L, _L)]
        pres = (acc > 0).astype(jnp.int32)
        inc = plsc.cumsum(pres)
        rank_v[pl.ds(j * _L, _L)] = (inc - pres) + running
        running = running + jnp.sum(pres)

    gsems = [sem_flh, sem_flm, sem_rows, sem_g, sem_g4, sem_g5, sem_g6, sem_g7]
    gathers = [None] * _NCHUNK
    for g in range(_NCHUNK):
        for i in range(_CHUNK // _L):
            v = flh_v[pl.ds(cbase + g * _CHUNK + i * _L, _L)]
            r = plsc.load_gather(rank_v, [v])
            idx2_v[g, pl.ds(i * _L, _L)] = r
        gathers[g] = pltpu.async_copy(
            w_sh.at[idx2_v.at[g]],
            rows_v.at[pl.ds(g * _CHUNK, _CHUNK)],
            gsems[g % len(gsems)],
        )
    wbs = []
    for g in range(_NCHUNK):
        gathers[g].wait()
        wbs.append(
            pltpu.async_copy(
                rows_v.at[pl.ds(g * _CHUNK, _CHUNK)],
                out_hbm.at[pl.ds(base + g * _CHUNK, _CHUNK)],
                sem_wb,
            )
        )
    for c in wbs:
        c.wait()


def kernel(file_list, W):
    mesh = plsc.VectorSubcoreMesh(
        core_axis_name="c", subcore_axis_name="s", num_cores=_NC, num_subcores=_NS
    )
    run = functools.partial(
        pl.kernel,
        out_type=jax.ShapeDtypeStruct((_BATCH, _DIM), jnp.float32),
        mesh=mesh,
        scratch_types=[
            pltpu.VMEM((_HPW,), jnp.int32),
            pltpu.VMEM((_MAXU,), jnp.int32),
            pltpu.VMEM((_NS, 256), jnp.int32),
            pltpu.VMEM((_MAXU,), jnp.int32),
            pltpu.VMEM((_NCHUNK, _CHUNK), jnp.int32),
            pltpu.VMEM((_BPW, _DIM), jnp.float32),
            pltpu.MemorySpace.VMEM_SHARED((_MAXU, _DIM), jnp.float32),
            pltpu.MemorySpace.VMEM_SHARED((_NS, 256), jnp.int32),
            pltpu.SemaphoreType.DMA,
            pltpu.SemaphoreType.DMA,
            pltpu.SemaphoreType.DMA,
            pltpu.SemaphoreType.DMA,
            pltpu.SemaphoreType.DMA,
            pltpu.SemaphoreType.DMA,
            pltpu.SemaphoreType.DMA,
            pltpu.SemaphoreType.DMA,
            pltpu.SemaphoreType.DMA,
        ],
        compiler_params=pltpu.CompilerParams(needs_layout_passes=False),
    )(_body)
    return run(file_list, W)

# --- scband reference (transcript-rebuilt; emitter-appended) ---
"""Pipeline reference for scband-scan-idembedding-53798760350074 (READ-ONLY COPY).

The authoritative reference and input builder live on the scoring server;
editing this copy changes nothing except your own understanding.
"""

import jax, jax.numpy as jnp
import numpy as np

DIM = 128
MAX_UNIQUE = 64
BATCH = 16384


def setup_inputs(seed: int = 0) -> dict:
    key = jax.random.key(seed)
    k1, k2 = jax.random.split(key)
    file_list = jax.random.randint(k1, (BATCH,), 0, MAX_UNIQUE, dtype=jnp.int32)
    # learned embedding table per init_kwargs: nn.Embedding(max_unique_scans, dim)
    W = jax.random.normal(k2, (MAX_UNIQUE, DIM), dtype=jnp.float32)
    return {"file_list": file_list, "W": W}


def reference(file_list, W):
    # np.unique(file_list) -> sorted unique values
    files_unique = jnp.unique(file_list, size=W.shape[0], fill_value=W.shape[0])
    # np.searchsorted(files_unique, file_list) -> remapped indices
    indices = jnp.searchsorted(files_unique, file_list)
    # nn.Embedding lookup -> gather rows of the table
    return jnp.take(W, indices, axis=0)

if __name__ == "__main__":
    import jax
    _d = setup_inputs()
    print(jax.jit(kernel)(*tuple(_d.values())))

</pallas_src>

<mosaic_0001>
#map = affine_map<(d0, d1) -> (0)>
#map1 = affine_map<(d0, d1) -> (0, 0)>
module attributes {stable_mosaic.version = 14 : i64} {
  func.func @_body(%arg0: i32, %arg1: i32, %arg2: memref<16384xi32, #tpu.memory_space<hbm>>, %arg3: memref<64x128xf32, #tpu.memory_space<hbm>>, %arg4: memref<16384x128xf32, #tpu.memory_space<hbm>>, %arg5: memref<1024xi32, #tpu.memory_space<vmem>>, %arg6: memref<64xi32, #tpu.memory_space<vmem>>, %arg7: memref<16x256xi32, #tpu.memory_space<vmem>>, %arg8: memref<64xi32, #tpu.memory_space<vmem>>, %arg9: memref<8x64xi32, #tpu.memory_space<vmem>>, %arg10: memref<512x128xf32, #tpu.memory_space<vmem>>, %arg11: memref<64x128xf32, #tpu.memory_space<vmem_shared>>, %arg12: memref<16x256xi32, #tpu.memory_space<vmem_shared>>, %arg13: memref<!tpu.dma_semaphore, #tpu.memory_space<semaphore_mem>>, %arg14: memref<!tpu.dma_semaphore, #tpu.memory_space<semaphore_mem>>, %arg15: memref<!tpu.dma_semaphore, #tpu.memory_space<semaphore_mem>>, %arg16: memref<!tpu.dma_semaphore, #tpu.memory_space<semaphore_mem>>, %arg17: memref<!tpu.dma_semaphore, #tpu.memory_space<semaphore_mem>>, %arg18: memref<!tpu.dma_semaphore, #tpu.memory_space<semaphore_mem>>, %arg19: memref<!tpu.dma_semaphore, #tpu.memory_space<semaphore_mem>>, %arg20: memref<!tpu.dma_semaphore, #tpu.memory_space<semaphore_mem>>, %arg21: memref<!tpu.dma_semaphore, #tpu.memory_space<semaphore_mem>>) attributes {dimension_semantics = [#tpu.dimension_semantics<core_parallel>, #tpu.dimension_semantics<subcore_parallel>], iteration_bounds = array<i64: 2, 16>, scalar_prefetch = 0 : i64, scratch_operands = 17 : i64, tpu.core_type = #tpu.core_type<sc_vector_subcore>, window_params = [{transform_indices = #map}, {transform_indices = #map1}, {transform_indices = #map1}]} {
    %mul3A = arith.constant 2 : i32
    %mul3A_0 = arith.muli %arg1, %mul3A : i32
    %add3A = arith.addi %mul3A_0, %arg0 : i32
    %mul3A_1 = arith.constant 512 : i32
    %mul3A_2 = arith.muli %add3A, %mul3A_1 : i32
    %mul3A_3 = arith.constant 1024 : i32
    %mul3A_4 = arith.muli %arg1, %mul3A_3 : i32
    %dma_start3A = tpu.memref_slice %arg2[%mul3A_4] : memref<16384xi32, #tpu.memory_space<hbm>> -> memref<1024xi32, #tpu.memory_space<hbm>>
    %dma_start3A_5 = tpu.memref_slice %arg2[%mul3A_4] : memref<16384xi32, #tpu.memory_space<hbm>> -> memref<1024xi32, #tpu.memory_space<hbm>>
    tpu.enqueue_dma source(%dma_start3A_5 : memref<1024xi32, #tpu.memory_space<hbm>>) target(%arg5 : memref<1024xi32, #tpu.memory_space<vmem>>) target_semaphore(%arg13 : memref<!tpu.dma_semaphore, #tpu.memory_space<semaphore_mem>>)
    %mul3A_6 = arith.constant 512 : i32
    %mul3A_7 = arith.muli %arg0, %mul3A_6 : i32
    %mul3A_8 = arith.constant 4 : i32
    %mul3A_9 = arith.muli %arg1, %mul3A_8 : i32
    %mul3A_10 = arith.constant 4 : i32
    %mul3A_11 = arith.muli %arg1, %mul3A_10 : i32
    "tpu.region"() ({
      %run_scoped3A = tpu.sem_alloc : memref<!tpu.dma_semaphore, #tpu.memory_space<semaphore_mem>>
      %dma_start3A_1222 = arith.constant 0 : i32
      %dma_start3A_1223 = tpu.memref_slice %arg11[%mul3A_11, %dma_start3A_1222] : memref<64x128xf32, #tpu.memory_space<vmem_shared>> -> memref<4x128xf32, #tpu.memory_space<vmem_shared>>
      %dma_start3A_1224 = arith.constant 0 : i32
      %dma_start3A_1225 = tpu.memref_slice %arg3[%mul3A_9, %dma_start3A_1224] : memref<64x128xf32, #tpu.memory_space<hbm>> -> memref<4x128xf32, #tpu.memory_space<hbm>>
      tpu.enqueue_dma source(%dma_start3A_1225 : memref<4x128xf32, #tpu.memory_space<hbm>>) target(%dma_start3A_1223 : memref<4x128xf32, #tpu.memory_space<vmem_shared>>) target_semaphore(%run_scoped3A : memref<!tpu.dma_semaphore, #tpu.memory_space<semaphore_mem>>)
      %dma_wait3A_1226 = arith.constant 0 : i32
      %dma_wait3A_1227 = tpu.memref_slice %arg11[%mul3A_11, %dma_wait3A_1226] : memref<64x128xf32, #tpu.memory_space<vmem_shared>> -> memref<4x128xf32, #tpu.memory_space<vmem_shared>>
      %dma_wait3A_1228 = arith.constant 0 : i32
      %dma_wait3A_1229 = tpu.memref_slice %arg3[%mul3A_9, %dma_wait3A_1228] : memref<64x128xf32, #tpu.memory_space<hbm>> -> memref<4x128xf32, #tpu.memory_space<hbm>>
      tpu.wait_dma2 semaphore(%run_scoped3A : memref<!tpu.dma_semaphore, #tpu.memory_space<semaphore_mem>>) src(%dma_wait3A_1229 : memref<4x128xf32, #tpu.memory_space<hbm>>) dst(%dma_wait3A_1227 : memref<4x128xf32, #tpu.memory_space<vmem_shared>>)
      tpu.yield
    }) : () -> ()
    %broadcast_in_dim3A = arith.constant 0 : i32
    %broadcast_in_dim3A_12 = vector.broadcast %broadcast_in_dim3A : i32 to vector<16xi32>
    %swap3A = arith.constant 0 : index
    %swap3A_13 = tpu.vector_load %arg6[%swap3A] {strides = array<i32>} : memref<64xi32, #tpu.memory_space<vmem>>, vector<16xi32>,
    tpu.vector_store %arg6[%swap3A], %broadcast_in_dim3A_12 {strides = array<i32>} : memref<64xi32, #tpu.memory_space<vmem>>, vector<16xi32>,
    %swap3A_14 = arith.constant 16 : index
    %swap3A_15 = tpu.vector_load %arg6[%swap3A_14] {strides = array<i32>} : memref<64xi32, #tpu.memory_space<vmem>>, vector<16xi32>,
    tpu.vector_store %arg6[%swap3A_14], %broadcast_in_dim3A_12 {strides = array<i32>} : memref<64xi32, #tpu.memory_space<vmem>>, vector<16xi32>,
    %swap3A_16 = arith.constant 32 : index
    %swap3A_17 = tpu.vector_load %arg6[%swap3A_16] {strides = array<i32>} : memref<64xi32, #tpu.memory_space<vmem>>, vector<16xi32>,
    tpu.vector_store %arg6[%swap3A_16], %broadcast_in_dim3A_12 {strides = array<i32>} : memref<64xi32, #tpu.memory_space<vmem>>, vector<16xi32>,
    %swap3A_18 = arith.constant 48 : index
    %swap3A_19 = tpu.vector_load %arg6[%swap3A_18] {strides = array<i32>} : memref<64xi32, #tpu.memory_space<vmem>>, vector<16xi32>,
    tpu.vector_store %arg6[%swap3A_18], %broadcast_in_dim3A_12 {strides = array<i32>} : memref<64xi32, #tpu.memory_space<vmem>>, vector<16xi32>,
    %broadcast_in_dim3A_20 = arith.constant 1 : i32
    %broadcast_in_dim3A_21 = vector.broadcast %broadcast_in_dim3A_20 : i32 to vector<16xi32>
    %dma_wait3A = tpu.memref_slice %arg2[%mul3A_4] : memref<16384xi32, #tpu.memory_space<hbm>> -> memref<1024xi32, #tpu.memory_space<hbm>>
    %dma_wait3A_22 = tpu.memref_slice %arg2[%mul3A_4] : memref<16384xi32, #tpu.memory_space<hbm>> -> memref<1024xi32, #tpu.memory_space<hbm>>
    tpu.wait_dma2 semaphore(%arg13 : memref<!tpu.dma_semaphore, #tpu.memory_space<semaphore_mem>>) src(%dma_wait3A_22 : memref<1024xi32, #tpu.memory_space<hbm>>) dst(%arg5 : memref<1024xi32, #tpu.memory_space<vmem>>)
    %get3A = arith.constant 0 : index
    %get3A_23 = tpu.vector_load %arg5[%get3A] {strides = array<i32>} : memref<1024xi32, #tpu.memory_space<vmem>>, vector<16xi32>,
    tpu.vector_store_idx %arg6[%get3A_23], %broadcast_in_dim3A_21 : memref<64xi32, #tpu.memory_space<vmem>>[vector<16xi32>], vector<16xi32>,
    %get3A_24 = arith.constant 16 : index
    %get3A_25 = tpu.vector_load %arg5[%get3A_24] {strides = array<i32>} : memref<1024xi32, #tpu.memory_space<vmem>>, vector<16xi32>,
    tpu.vector_store_idx %arg6[%get3A_25], %broadcast_in_dim3A_21 : memref<64xi32, #tpu.memory_space<vmem>>[vector<16xi32>], vector<16xi32>,
    %get3A_26 = arith.constant 32 : index
    %get3A_27 = tpu.vector_load %arg5[%get3A_26] {strides = array<i32>} : memref<1024xi32, #tpu.memory_space<vmem>>, vector<16xi32>,
    tpu.vector_store_idx %arg6[%get3A_27], %broadcast_in_dim3A_21 : memref<64xi32, #tpu.memory_space<vmem>>[vector<16xi32>], vector<16xi32>,
    %get3A_28 = arith.constant 48 : index
    %get3A_29 = tpu.vector_load %arg5[%get3A_28] {strides = array<i32>} : memref<1024xi32, #tpu.memory_space<vmem>>, vector<16xi32>,
    tpu.vector_store_idx %arg6[%get3A_29], %broadcast_in_dim3A_21 : memref<64xi32, #tpu.memory_space<vmem>>[vector<16xi32>], vector<16xi32>,
    %get3A_30 = arith.constant 64 : index
    %get3A_31 = tpu.vector_load %arg5[%get3A_30] {strides = array<i32>} : memref<1024xi32, #tpu.memory_space<vmem>>, vector<16xi32>,
    tpu.vector_store_idx %arg6[%get3A_31], %broadcast_in_dim3A_21 : memref<64xi32, #tpu.memory_space<vmem>>[vector<16xi32>], vector<16xi32>,
    %get3A_32 = arith.constant 80 : index
    %get3A_33 = tpu.vector_load %arg5[%get3A_32] {strides = array<i32>} : memref<1024xi32, #tpu.memory_space<vmem>>, vector<16xi32>,
    tpu.vector_store_idx %arg6[%get3A_33], %broadcast_in_dim3A_21 : memref<64xi32, #tpu.memory_space<vmem>>[vector<16xi32>], vector<16xi32>,
    %get3A_34 = arith.constant 96 : index
    %get3A_35 = tpu.vector_load %arg5[%get3A_34] {strides = array<i32>} : memref<1024xi32, #tpu.memory_space<vmem>>, vector<16xi32>,
    tpu.vector_store_idx %arg6[%get3A_35], %broadcast_in_dim3A_21 : memref<64xi32, #tpu.memory_space<vmem>>[vector<16xi32>], vector<16xi32>,
    %get3A_36 = arith.constant 112 : index
    %get3A_37 = tpu.vector_load %arg5[%get3A_36] {strides = array<i32>} : memref<1024xi32, #tpu.memory_space<vmem>>, vector<16xi32>,
    tpu.vector_store_idx %arg6[%get3A_37], %broadcast_in_dim3A_21 : memref<64xi32, #tpu.memory_space<vmem>>[vector<16xi32>], vector<16xi32>,
    %get3A_38 = arith.constant 128 : index
    %get3A_39 = tpu.vector_load %arg5[%get3A_38] {strides = array<i32>} : memref<1024xi32, #tpu.memory_space<vmem>>, vector<16xi32>,
    tpu.vector_store_idx %arg6[%get3A_39], %broadcast_in_dim3A_21 : memref<64xi32, #tpu.memory_space<vmem>>[vector<16xi32>], vector<16xi32>,
    %get3A_40 = arith.constant 144 : index
    %get3A_41 = tpu.vector_load %arg5[%get3A_40] {strides = array<i32>} : memref<1024xi32, #tpu.memory_space<vmem>>, vector<16xi32>,
    tpu.vector_store_idx %arg6[%get3A_41], %broadcast_in_dim3A_21 : memref<64xi32, #tpu.memory_space<vmem>>[vector<16xi32>], vector<16xi32>,
    %get3A_42 = arith.constant 160 : index
    %get3A_43 = tpu.vector_load %arg5[%get3A_42] {strides = array<i32>} : memref<1024xi32, #tpu.memory_space<vmem>>, vector<16xi32>,
    tpu.vector_store_idx %arg6[%get3A_43], %broadcast_in_dim3A_21 : memref<64xi32, #tpu.memory_space<vmem>>[vector<16xi32>], vector<16xi32>,
    %get3A_44 = arith.constant 176 : index
    %get3A_45 = tpu.vector_load %arg5[%get3A_44] {strides = array<i32>} : memref<1024xi32, #tpu.memory_space<vmem>>, vector<16xi32>,
    tpu.vector_store_idx %arg6[%get3A_45], %broadcast_in_dim3A_21 : memref<64xi32, #tpu.memory_space<vmem>>[vector<16xi32>], vector<16xi32>,
    %get3A_46 = arith.constant 192 : index
    %get3A_47 = tpu.vector_load %arg5[%get3A_46] {strides = array<i32>} : memref<1024xi32, #tpu.memory_space<vmem>>, vector<16xi32>,
    tpu.vector_store_idx %arg6[%get3A_47], %broadcast_in_dim3A_21 : memref<64xi32, #tpu.memory_space<vmem>>[vector<16xi32>], vector<16xi32>,
    %get3A_48 = arith.constant 208 : index
    %get3A_49 = tpu.vector_load %arg5[%get3A_48] {strides = array<i32>} : memref<1024xi32, #tpu.memory_space<vmem>>, vector<16xi32>,
    tpu.vector_store_idx %arg6[%get3A_49], %broadcast_in_dim3A_21 : memref<64xi32, #tpu.memory_space<vmem>>[vector<16xi32>], vector<16xi32>,
    %get3A_50 = arith.constant 224 : index
    %get3A_51 = tpu.vector_load %arg5[%get3A_50] {strides = array<i32>} : memref<1024xi32, #tpu.memory_space<vmem>>, vector<16xi32>,
    tpu.vector_store_idx %arg6[%get3A_51], %broadcast_in_dim3A_21 : memref<64xi32, #tpu.memory_space<vmem>>[vector<16xi32>], vector<16xi32>,
    %get3A_52 = arith.constant 240 : index
    %get3A_53 = tpu.vector_load %arg5[%get3A_52] {strides = array<i32>} : memref<1024xi32, #tpu.memory_space<vmem>>, vector<16xi32>,
    tpu.vector_store_idx %arg6[%get3A_53], %broadcast_in_dim3A_21 : memref<64xi32, #tpu.memory_space<vmem>>[vector<16xi32>], vector<16xi32>,
    %get3A_54 = arith.constant 256 : index
    %get3A_55 = tpu.vector_load %arg5[%get3A_54] {strides = array<i32>} : memref<1024xi32, #tpu.memory_space<vmem>>, vector<16xi32>,
    tpu.vector_store_idx %arg6[%get3A_55], %broadcast_in_dim3A_21 : memref<64xi32, #tpu.memory_space<vmem>>[vector<16xi32>], vector<16xi32>,
    %get3A_56 = arith.constant 272 : index
    %get3A_57 = tpu.vector_load %arg5[%get3A_56] {strides = array<i32>} : memref<1024xi32, #tpu.memory_space<vmem>>, vector<16xi32>,
    tpu.vector_store_idx %arg6[%get3A_57], %broadcast_in_dim3A_21 : memref<64xi32, #tpu.memory_space<vmem>>[vector<16xi32>], vector<16xi32>,
    %get3A_58 = arith.constant 288 : index
    %get3A_59 = tpu.vector_load %arg5[%get3A_58] {strides = array<i32>} : memref<1024xi32, #tpu.memory_space<vmem>>, vector<16xi32>,
    tpu.vector_store_idx %arg6[%get3A_59], %broadcast_in_dim3A_21 : memref<64xi32, #tpu.memory_space<vmem>>[vector<16xi32>], vector<16xi32>,
    %get3A_60 = arith.constant 304 : index
    %get3A_61 = tpu.vector_load %arg5[%get3A_60] {strides = array<i32>} : memref<1024xi32, #tpu.memory_space<vmem>>, vector<16xi32>,
    tpu.vector_store_idx %arg6[%get3A_61], %broadcast_in_dim3A_21 : memref<64xi32, #tpu.memory_space<vmem>>[vector<16xi32>], vector<16xi32>,
    %get3A_62 = arith.constant 320 : index
    %get3A_63 = tpu.vector_load %arg5[%get3A_62] {strides = array<i32>} : memref<1024xi32, #tpu.memory_space<vmem>>, vector<16xi32>,
    tpu.vector_store_idx %arg6[%get3A_63], %broadcast_in_dim3A_21 : memref<64xi32, #tpu.memory_space<vmem>>[vector<16xi32>], vector<16xi32>,
    %get3A_64 = arith.constant 336 : index
    %get3A_65 = tpu.vector_load %arg5[%get3A_64] {strides = array<i32>} : memref<1024xi32, #tpu.memory_space<vmem>>, vector<16xi32>,
    tpu.vector_store_idx %arg6[%get3A_65], %broadcast_in_dim3A_21 : memref<64xi32, #tpu.memory_space<vmem>>[vector<16xi32>], vector<16xi32>,
    %get3A_66 = arith.constant 352 : index
    %get3A_67 = tpu.vector_load %arg5[%get3A_66] {strides = array<i32>} : memref<1024xi32, #tpu.memory_space<vmem>>, vector<16xi32>,
    tpu.vector_store_idx %arg6[%get3A_67], %broadcast_in_dim3A_21 : memref<64xi32, #tpu.memory_space<vmem>>[vector<16xi32>], vector<16xi32>,
    %get3A_68 = arith.constant 368 : index
    %get3A_69 = tpu.vector_load %arg5[%get3A_68] {strides = array<i32>} : memref<1024xi32, #tpu.memory_space<vmem>>, vector<16xi32>,
    tpu.vector_store_idx %arg6[%get3A_69], %broadcast_in_dim3A_21 : memref<64xi32, #tpu.memory_space<vmem>>[vector<16xi32>], vector<16xi32>,
    %get3A_70 = arith.constant 384 : index
    %get3A_71 = tpu.vector_load %arg5[%get3A_70] {strides = array<i32>} : memref<1024xi32, #tpu.memory_space<vmem>>, vector<16xi32>,
    tpu.vector_store_idx %arg6[%get3A_71], %broadcast_in_dim3A_21 : memref<64xi32, #tpu.memory_space<vmem>>[vector<16xi32>], vector<16xi32>,
    %get3A_72 = arith.constant 400 : index
    %get3A_73 = tpu.vector_load %arg5[%get3A_72] {strides = array<i32>} : memref<1024xi32, #tpu.memory_space<vmem>>, vector<16xi32>,
    tpu.vector_store_idx %arg6[%get3A_73], %broadcast_in_dim3A_21 : memref<64xi32, #tpu.memory_space<vmem>>[vector<16xi32>], vector<16xi32>,
    %get3A_74 = arith.constant 416 : index
    %get3A_75 = tpu.vector_load %arg5[%get3A_74] {strides = array<i32>} : memref<1024xi32, #tpu.memory_space<vmem>>, vector<16xi32>,
    tpu.vector_store_idx %arg6[%get3A_75], %broadcast_in_dim3A_21 : memref<64xi32, #tpu.memory_space<vmem>>[vector<16xi32>], vector<16xi32>,
    %get3A_76 = arith.constant 432 : index
    %get3A_77 = tpu.vector_load %arg5[%get3A_76] {strides = array<i32>} : memref<1024xi32, #tpu.memory_space<vmem>>, vector<16xi32>,
    tpu.vector_store_idx %arg6[%get3A_77], %broadcast_in_dim3A_21 : memref<64xi32, #tpu.memory_space<vmem>>[vector<16xi32>], vector<16xi32>,
    %get3A_78 = arith.constant 448 : index
    %get3A_79 = tpu.vector_load %arg5[%get3A_78] {strides = array<i32>} : memref<1024xi32, #tpu.memory_space<vmem>>, vector<16xi32>,
    tpu.vector_store_idx %arg6[%get3A_79], %broadcast_in_dim3A_21 : memref<64xi32, #tpu.memory_space<vmem>>[vector<16xi32>], vector<16xi32>,
    %get3A_80 = arith.constant 464 : index
    %get3A_81 = tpu.vector_load %arg5[%get3A_80] {strides = array<i32>} : memref<1024xi32, #tpu.memory_space<vmem>>, vector<16xi32>,
    tpu.vector_store_idx %arg6[%get3A_81], %broadcast_in_dim3A_21 : memref<64xi32, #tpu.memory_space<vmem>>[vector<16xi32>], vector<16xi32>,
    %get3A_82 = arith.constant 480 : index
    %get3A_83 = tpu.vector_load %arg5[%get3A_82] {strides = array<i32>} : memref<1024xi32, #tpu.memory_space<vmem>>, vector<16xi32>,
    tpu.vector_store_idx %arg6[%get3A_83], %broadcast_in_dim3A_21 : memref<64xi32, #tpu.memory_space<vmem>>[vector<16xi32>], vector<16xi32>,
    %get3A_84 = arith.constant 496 : index
    %get3A_85 = tpu.vector_load %arg5[%get3A_84] {strides = array<i32>} : memref<1024xi32, #tpu.memory_space<vmem>>, vector<16xi32>,
    tpu.vector_store_idx %arg6[%get3A_85], %broadcast_in_dim3A_21 : memref<64xi32, #tpu.memory_space<vmem>>[vector<16xi32>], vector<16xi32>,
    %get3A_86 = arith.constant 512 : index
    %get3A_87 = tpu.vector_load %arg5[%get3A_86] {strides = array<i32>} : memref<1024xi32, #tpu.memory_space<vmem>>, vector<16xi32>,
    tpu.vector_store_idx %arg6[%get3A_87], %broadcast_in_dim3A_21 : memref<64xi32, #tpu.memory_space<vmem>>[vector<16xi32>], vector<16xi32>,
    %get3A_88 = arith.constant 528 : index
    %get3A_89 = tpu.vector_load %arg5[%get3A_88] {strides = array<i32>} : memref<1024xi32, #tpu.memory_space<vmem>>, vector<16xi32>,
    tpu.vector_store_idx %arg6[%get3A_89], %broadcast_in_dim3A_21 : memref<64xi32, #tpu.memory_space<vmem>>[vector<16xi32>], vector<16xi32>,
    %get3A_90 = arith.constant 544 : index
    %get3A_91 = tpu.vector_load %arg5[%get3A_90] {strides = array<i32>} : memref<1024xi32, #tpu.memory_space<vmem>>, vector<16xi32>,
    tpu.vector_store_idx %arg6[%get3A_91], %broadcast_in_dim3A_21 : memref<64xi32, #tpu.memory_space<vmem>>[vector<16xi32>], vector<16xi32>,
    %get3A_92 = arith.constant 560 : index
    %get3A_93 = tpu.vector_load %arg5[%get3A_92] {strides = array<i32>} : memref<1024xi32, #tpu.memory_space<vmem>>, vector<16xi32>,
    tpu.vector_store_idx %arg6[%get3A_93], %broadcast_in_dim3A_21 : memref<64xi32, #tpu.memory_space<vmem>>[vector<16xi32>], vector<16xi32>,
    %get3A_94 = arith.constant 576 : index
    %get3A_95 = tpu.vector_load %arg5[%get3A_94] {strides = array<i32>} : memref<1024xi32, #tpu.memory_space<vmem>>, vector<16xi32>,
    tpu.vector_store_idx %arg6[%get3A_95], %broadcast_in_dim3A_21 : memref<64xi32, #tpu.memory_space<vmem>>[vector<16xi32>], vector<16xi32>,
    %get3A_96 = arith.constant 592 : index
    %get3A_97 = tpu.vector_load %arg5[%get3A_96] {strides = array<i32>} : memref<1024xi32, #tpu.memory_space<vmem>>, vector<16xi32>,
    tpu.vector_store_idx %arg6[%get3A_97], %broadcast_in_dim3A_21 : memref<64xi32, #tpu.memory_space<vmem>>[vector<16xi32>], vector<16xi32>,
    %get3A_98 = arith.constant 608 : index
    %get3A_99 = tpu.vector_load %arg5[%get3A_98] {strides = array<i32>} : memref<1024xi32, #tpu.memory_space<vmem>>, vector<16xi32>,
    tpu.vector_store_idx %arg6[%get3A_99], %broadcast_in_dim3A_21 : memref<64xi32, #tpu.memory_space<vmem>>[vector<16xi32>], vector<16xi32>,
    %get3A_100 = arith.constant 624 : index
    %get3A_101 = tpu.vector_load %arg5[%get3A_100] {strides = array<i32>} : memref<1024xi32, #tpu.memory_space<vmem>>, vector<16xi32>,
    tpu.vector_store_idx %arg6[%get3A_101], %broadcast_in_dim3A_21 : memref<64xi32, #tpu.memory_space<vmem>>[vector<16xi32>], vector<16xi32>,
    %get3A_102 = arith.constant 640 : index
    %get3A_103 = tpu.vector_load %arg5[%get3A_102] {strides = array<i32>} : memref<1024xi32, #tpu.memory_space<vmem>>, vector<16xi32>,
    tpu.vector_store_idx %arg6[%get3A_103], %broadcast_in_dim3A_21 : memref<64xi32, #tpu.memory_space<vmem>>[vector<16xi32>], vector<16xi32>,
    %get3A_104 = arith.constant 656 : index
    %get3A_105 = tpu.vector_load %arg5[%get3A_104] {strides = array<i32>} : memref<1024xi32, #tpu.memory_space<vmem>>, vector<16xi32>,
    tpu.vector_store_idx %arg6[%get3A_105], %broadcast_in_dim3A_21 : memref<64xi32, #tpu.memory_space<vmem>>[vector<16xi32>], vector<16xi32>,
    %get3A_106 = arith.constant 672 : index
    %get3A_107 = tpu.vector_load %arg5[%get3A_106] {strides = array<i32>} : memref<1024xi32, #tpu.memory_space<vmem>>, vector<16xi32>,
    tpu.vector_store_idx %arg6[%get3A_107], %broadcast_in_dim3A_21 : memref<64xi32, #tpu.memory_space<vmem>>[vector<16xi32>], vector<16xi32>,
    %get3A_108 = arith.constant 688 : index
    %get3A_109 = tpu.vector_load %arg5[%get3A_108] {strides = array<i32>} : memref<1024xi32, #tpu.memory_space<vmem>>, vector<16xi32>,
    tpu.vector_store_idx %arg6[%get3A_109], %broadcast_in_dim3A_21 : memref<64xi32, #tpu.memory_space<vmem>>[vector<16xi32>], vector<16xi32>,
    %get3A_110 = arith.constant 704 : index
    %get3A_111 = tpu.vector_load %arg5[%get3A_110] {strides = array<i32>} : memref<1024xi32, #tpu.memory_space<vmem>>, vector<16xi32>,
    tpu.vector_store_idx %arg6[%get3A_111], %broadcast_in_dim3A_21 : memref<64xi32, #tpu.memory_space<vmem>>[vector<16xi32>], vector<16xi32>,
    %get3A_112 = arith.constant 720 : index
    %get3A_113 = tpu.vector_load %arg5[%get3A_112] {strides = array<i32>} : memref<1024xi32, #tpu.memory_space<vmem>>, vector<16xi32>,
    tpu.vector_store_idx %arg6[%get3A_113], %broadcast_in_dim3A_21 : memref<64xi32, #tpu.memory_space<vmem>>[vector<16xi32>], vector<16xi32>,
    %get3A_114 = arith.constant 736 : index
    %get3A_115 = tpu.vector_load %arg5[%get3A_114] {strides = array<i32>} : memref<1024xi32, #tpu.memory_space<vmem>>, vector<16xi32>,
    tpu.vector_store_idx %arg6[%get3A_115], %broadcast_in_dim3A_21 : memref<64xi32, #tpu.memory_space<vmem>>[vector<16xi32>], vector<16xi32>,
    %get3A_116 = arith.constant 752 : index
    %get3A_117 = tpu.vector_load %arg5[%get3A_116] {strides = array<i32>} : memref<1024xi32, #tpu.memory_space<vmem>>, vector<16xi32>,
    tpu.vector_store_idx %arg6[%get3A_117], %broadcast_in_dim3A_21 : memref<64xi32, #tpu.memory_space<vmem>>[vector<16xi32>], vector<16xi32>,
    %get3A_118 = arith.constant 768 : index
    %get3A_119 = tpu.vector_load %arg5[%get3A_118] {strides = array<i32>} : memref<1024xi32, #tpu.memory_space<vmem>>, vector<16xi32>,
    tpu.vector_store_idx %arg6[%get3A_119], %broadcast_in_dim3A_21 : memref<64xi32, #tpu.memory_space<vmem>>[vector<16xi32>], vector<16xi32>,
    %get3A_120 = arith.constant 784 : index
    %get3A_121 = tpu.vector_load %arg5[%get3A_120] {strides = array<i32>} : memref<1024xi32, #tpu.memory_space<vmem>>, vector<16xi32>,
    tpu.vector_store_idx %arg6[%get3A_121], %broadcast_in_dim3A_21 : memref<64xi32, #tpu.memory_space<vmem>>[vector<16xi32>], vector<16xi32>,
    %get3A_122 = arith.constant 800 : index
    %get3A_123 = tpu.vector_load %arg5[%get3A_122] {strides = array<i32>} : memref<1024xi32, #tpu.memory_space<vmem>>, vector<16xi32>,
    tpu.vector_store_idx %arg6[%get3A_123], %broadcast_in_dim3A_21 : memref<64xi32, #tpu.memory_space<vmem>>[vector<16xi32>], vector<16xi32>,
    %get3A_124 = arith.constant 816 : index
    %get3A_125 = tpu.vector_load %arg5[%get3A_124] {strides = array<i32>} : memref<1024xi32, #tpu.memory_space<vmem>>, vector<16xi32>,
    tpu.vector_store_idx %arg6[%get3A_125], %broadcast_in_dim3A_21 : memref<64xi32, #tpu.memory_space<vmem>>[vector<16xi32>], vector<16xi32>,
    %get3A_126 = arith.constant 832 : index
    %get3A_127 = tpu.vector_load %arg5[%get3A_126] {strides = array<i32>} : memref<1024xi32, #tpu.memory_space<vmem>>, vector<16xi32>,
    tpu.vector_store_idx %arg6[%get3A_127], %broadcast_in_dim3A_21 : memref<64xi32, #tpu.memory_space<vmem>>[vector<16xi32>], vector<16xi32>,
    %get3A_128 = arith.constant 848 : index
    %get3A_129 = tpu.vector_load %arg5[%get3A_128] {strides = array<i32>} : memref<1024xi32, #tpu.memory_space<vmem>>, vector<16xi32>,
    tpu.vector_store_idx %arg6[%get3A_129], %broadcast_in_dim3A_21 : memref<64xi32, #tpu.memory_space<vmem>>[vector<16xi32>], vector<16xi32>,
    %get3A_130 = arith.constant 864 : index
    %get3A_131 = tpu.vector_load %arg5[%get3A_130] {strides = array<i32>} : memref<1024xi32, #tpu.memory_space<vmem>>, vector<16xi32>,
    tpu.vector_store_idx %arg6[%get3A_131], %broadcast_in_dim3A_21 : memref<64xi32, #tpu.memory_space<vmem>>[vector<16xi32>], vector<16xi32>,
    %get3A_132 = arith.constant 880 : index
    %get3A_133 = tpu.vector_load %arg5[%get3A_132] {strides = array<i32>} : memref<1024xi32, #tpu.memory_space<vmem>>, vector<16xi32>,
    tpu.vector_store_idx %arg6[%get3A_133], %broadcast_in_dim3A_21 : memref<64xi32, #tpu.memory_space<vmem>>[vector<16xi32>], vector<16xi32>,
    %get3A_134 = arith.constant 896 : index
    %get3A_135 = tpu.vector_load %arg5[%get3A_134] {strides = array<i32>} : memref<1024xi32, #tpu.memory_space<vmem>>, vector<16xi32>,
    tpu.vector_store_idx %arg6[%get3A_135], %broadcast_in_dim3A_21 : memref<64xi32, #tpu.memory_space<vmem>>[vector<16xi32>], vector<16xi32>,
    %get3A_136 = arith.constant 912 : index
    %get3A_137 = tpu.vector_load %arg5[%get3A_136] {strides = array<i32>} : memref<1024xi32, #tpu.memory_space<vmem>>, vector<16xi32>,
    tpu.vector_store_idx %arg6[%get3A_137], %broadcast_in_dim3A_21 : memref<64xi32, #tpu.memory_space<vmem>>[vector<16xi32>], vector<16xi32>,
    %get3A_138 = arith.constant 928 : index
    %get3A_139 = tpu.vector_load %arg5[%get3A_138] {strides = array<i32>} : memref<1024xi32, #tpu.memory_space<vmem>>, vector<16xi32>,
    tpu.vector_store_idx %arg6[%get3A_139], %broadcast_in_dim3A_21 : memref<64xi32, #tpu.memory_space<vmem>>[vector<16xi32>], vector<16xi32>,
    %get3A_140 = arith.constant 944 : index
    %get3A_141 = tpu.vector_load %arg5[%get3A_140] {strides = array<i32>} : memref<1024xi32, #tpu.memory_space<vmem>>, vector<16xi32>,
    tpu.vector_store_idx %arg6[%get3A_141], %broadcast_in_dim3A_21 : memref<64xi32, #tpu.memory_space<vmem>>[vector<16xi32>], vector<16xi32>,
    %get3A_142 = arith.constant 960 : index
    %get3A_143 = tpu.vector_load %arg5[%get3A_142] {strides = array<i32>} : memref<1024xi32, #tpu.memory_space<vmem>>, vector<16xi32>,
    tpu.vector_store_idx %arg6[%get3A_143], %broadcast_in_dim3A_21 : memref<64xi32, #tpu.memory_space<vmem>>[vector<16xi32>], vector<16xi32>,
    %get3A_144 = arith.constant 976 : index
    %get3A_145 = tpu.vector_load %arg5[%get3A_144] {strides = array<i32>} : memref<1024xi32, #tpu.memory_space<vmem>>, vector<16xi32>,
    tpu.vector_store_idx %arg6[%get3A_145], %broadcast_in_dim3A_21 : memref<64xi32, #tpu.memory_space<vmem>>[vector<16xi32>], vector<16xi32>,
    %get3A_146 = arith.constant 992 : index
    %get3A_147 = tpu.vector_load %arg5[%get3A_146] {strides = array<i32>} : memref<1024xi32, #tpu.memory_space<vmem>>, vector<16xi32>,
    tpu.vector_store_idx %arg6[%get3A_147], %broadcast_in_dim3A_21 : memref<64xi32, #tpu.memory_space<vmem>>[vector<16xi32>], vector<16xi32>,
    %get3A_148 = arith.constant 1008 : index
    %get3A_149 = tpu.vector_load %arg5[%get3A_148] {strides = array<i32>} : memref<1024xi32, #tpu.memory_space<vmem>>, vector<16xi32>,
    tpu.vector_store_idx %arg6[%get3A_149], %broadcast_in_dim3A_21 : memref<64xi32, #tpu.memory_space<vmem>>[vector<16xi32>], vector<16xi32>,
    "tpu.region"() ({
      %run_scoped3A = tpu.sem_alloc : memref<!tpu.dma_semaphore, #tpu.memory_space<semaphore_mem>>
      %dma_start3A_1222 = arith.constant 0 : i32
      %dma_start3A_1223 = tpu.memref_slice %arg12[%arg1, %dma_start3A_1222] : memref<16x256xi32, #tpu.memory_space<vmem_shared>> -> memref<1x64xi32, #tpu.memory_space<vmem_shared>>
      %dma_start3A_1224 = tpu.memref_squeeze %dma_start3A_1223 : memref<1x64xi32, #tpu.memory_space<vmem_shared>> -> memref<64xi32, #tpu.memory_space<vmem_shared>>
      %dma_start3A_1225 = arith.constant 0 : i32
      %dma_start3A_1226 = tpu.memref_slice %arg12[%arg1, %dma_start3A_1225] : memref<16x256xi32, #tpu.memory_space<vmem_shared>> -> memref<1x64xi32, #tpu.memory_space<vmem_shared>>
      %dma_start3A_1227 = tpu.memref_squeeze %dma_start3A_1226 : memref<1x64xi32, #tpu.memory_space<vmem_shared>> -> memref<64xi32, #tpu.memory_space<vmem_shared>>
      tpu.enqueue_dma source(%arg6 : memref<64xi32, #tpu.memory_space<vmem>>) target(%dma_start3A_1227 : memref<64xi32, #tpu.memory_space<vmem_shared>>) target_semaphore(%run_scoped3A : memref<!tpu.dma_semaphore, #tpu.memory_space<semaphore_mem>>)
      %dma_wait3A_1228 = arith.constant 0 : i32
      %dma_wait3A_1229 = tpu.memref_slice %arg12[%arg1, %dma_wait3A_1228] : memref<16x256xi32, #tpu.memory_space<vmem_shared>> -> memref<1x64xi32, #tpu.memory_space<vmem_shared>>
      %dma_wait3A_1230 = tpu.memref_squeeze %dma_wait3A_1229 : memref<1x64xi32, #tpu.memory_space<vmem_shared>> -> memref<64xi32, #tpu.memory_space<vmem_shared>>
      %dma_wait3A_1231 = arith.constant 0 : i32
      %dma_wait3A_1232 = tpu.memref_slice %arg12[%arg1, %dma_wait3A_1231] : memref<16x256xi32, #tpu.memory_space<vmem_shared>> -> memref<1x64xi32, #tpu.memory_space<vmem_shared>>
      %dma_wait3A_1233 = tpu.memref_squeeze %dma_wait3A_1232 : memref<1x64xi32, #tpu.memory_space<vmem_shared>> -> memref<64xi32, #tpu.memory_space<vmem_shared>>
      tpu.wait_dma2 semaphore(%run_scoped3A : memref<!tpu.dma_semaphore, #tpu.memory_space<semaphore_mem>>) src(%arg6 : memref<64xi32, #tpu.memory_space<vmem>>) dst(%dma_wait3A_1233 : memref<64xi32, #tpu.memory_space<vmem_shared>>)
      tpu.yield
    }) : () -> ()
    %barrier3A = arith.constant 0 : index
    tpu.barrier barrier_id(%barrier3A)
    "tpu.region"() ({
      %run_scoped3A = tpu.sem_alloc : memref<!tpu.dma_semaphore, #tpu.memory_space<semaphore_mem>>
      tpu.enqueue_dma source(%arg12 : memref<16x256xi32, #tpu.memory_space<vmem_shared>>) target(%arg7 : memref<16x256xi32, #tpu.memory_space<vmem>>) target_semaphore(%run_scoped3A : memref<!tpu.dma_semaphore, #tpu.memory_space<semaphore_mem>>)
      tpu.wait_dma2 semaphore(%run_scoped3A : memref<!tpu.dma_semaphore, #tpu.memory_space<semaphore_mem>>) src(%arg12 : memref<16x256xi32, #tpu.memory_space<vmem_shared>>) dst(%arg7 : memref<16x256xi32, #tpu.memory_space<vmem>>)
      tpu.yield
    }) : () -> ()
    %get3A_150 = arith.constant 0 : i32
    %get3A_151 = arith.index_cast %get3A_150 : i32 to index
    %get3A_152 = arith.constant 0 : index
    %get3A_153 = tpu.vector_load %arg7[%get3A_151, %get3A_152] {strides = array<i32>} : memref<16x256xi32, #tpu.memory_space<vmem>>, vector<16xi32>,
    %add3A_154 = arith.addi %broadcast_in_dim3A_12, %get3A_153 : vector<16xi32>
    %get3A_155 = arith.constant 1 : i32
    %get3A_156 = arith.index_cast %get3A_155 : i32 to index
    %get3A_157 = arith.constant 0 : index
    %get3A_158 = tpu.vector_load %arg7[%get3A_156, %get3A_157] {strides = array<i32>} : memref<16x256xi32, #tpu.memory_space<vmem>>, vector<16xi32>,
    %add3A_159 = arith.addi %add3A_154, %get3A_158 : vector<16xi32>
    %get3A_160 = arith.constant 2 : i32
    %get3A_161 = arith.index_cast %get3A_160 : i32 to index
    %get3A_162 = arith.constant 0 : index
    %get3A_163 = tpu.vector_load %arg7[%get3A_161, %get3A_162] {strides = array<i32>} : memref<16x256xi32, #tpu.memory_space<vmem>>, vector<16xi32>,
    %add3A_164 = arith.addi %add3A_159, %get3A_163 : vector<16xi32>
    %get3A_165 = arith.constant 3 : i32
    %get3A_166 = arith.index_cast %get3A_165 : i32 to index
    %get3A_167 = arith.constant 0 : index
    %get3A_168 = tpu.vector_load %arg7[%get3A_166, %get3A_167] {strides = array<i32>} : memref<16x256xi32, #tpu.memory_space<vmem>>, vector<16xi32>,
    %add3A_169 = arith.addi %add3A_164, %get3A_168 : vector<16xi32>
    %get3A_170 = arith.constant 4 : i32
    %get3A_171 = arith.index_cast %get3A_170 : i32 to index
    %get3A_172 = arith.constant 0 : index
    %get3A_173 = tpu.vector_load %arg7[%get3A_171, %get3A_172] {strides = array<i32>} : memref<16x256xi32, #tpu.memory_space<vmem>>, vector<16xi32>,
    %add3A_174 = arith.addi %add3A_169, %get3A_173 : vector<16xi32>
    %get3A_175 = arith.constant 5 : i32
    %get3A_176 = arith.index_cast %get3A_175 : i32 to index
    %get3A_177 = arith.constant 0 : index
    %get3A_178 = tpu.vector_load %arg7[%get3A_176, %get3A_177] {strides = array<i32>} : memref<16x256xi32, #tpu.memory_space<vmem>>, vector<16xi32>,
    %add3A_179 = arith.addi %add3A_174, %get3A_178 : vector<16xi32>
    %get3A_180 = arith.constant 6 : i32
    %get3A_181 = arith.index_cast %get3A_180 : i32 to index
    %get3A_182 = arith.constant 0 : index
    %get3A_183 = tpu.vector_load %arg7[%get3A_181, %get3A_182] {strides = array<i32>} : memref<16x256xi32, #tpu.memory_space<vmem>>, vector<16xi32>,
    %add3A_184 = arith.addi %add3A_179, %get3A_183 : vector<16xi32>
    %get3A_185 = arith.constant 7 : i32
    %get3A_186 = arith.index_cast %get3A_185 : i32 to index
    %get3A_187 = arith.constant 0 : index
    %get3A_188 = tpu.vector_load %arg7[%get3A_186, %get3A_187] {strides = array<i32>} : memref<16x256xi32, #tpu.memory_space<vmem>>, vector<16xi32>,
    %add3A_189 = arith.addi %add3A_184, %get3A_188 : vector<16xi32>
    %get3A_190 = arith.constant 8 : i32
    %get3A_191 = arith.index_cast %get3A_190 : i32 to index
    %get3A_192 = arith.constant 0 : index
    %get3A_193 = tpu.vector_load %arg7[%get3A_191, %get3A_192] {strides = array<i32>} : memref<16x256xi32, #tpu.memory_space<vmem>>, vector<16xi32>,
    %add3A_194 = arith.addi %add3A_189, %get3A_193 : vector<16xi32>
    %get3A_195 = arith.constant 9 : i32
    %get3A_196 = arith.index_cast %get3A_195 : i32 to index
    %get3A_197 = arith.constant 0 : index
    %get3A_198 = tpu.vector_load %arg7[%get3A_196, %get3A_197] {strides = array<i32>} : memref<16x256xi32, #tpu.memory_space<vmem>>, vector<16xi32>,
    %add3A_199 = arith.addi %add3A_194, %get3A_198 : vector<16xi32>
    %get3A_200 = arith.constant 10 : i32
    %get3A_201 = arith.index_cast %get3A_200 : i32 to index
    %get3A_202 = arith.constant 0 : index
    %get3A_203 = tpu.vector_load %arg7[%get3A_201, %get3A_202] {strides = array<i32>} : memref<16x256xi32, #tpu.memory_space<vmem>>, vector<16xi32>,
    %add3A_204 = arith.addi %add3A_199, %get3A_203 : vector<16xi32>
    %get3A_205 = arith.constant 11 : i32
    %get3A_206 = arith.index_cast %get3A_205 : i32 to index
    %get3A_207 = arith.constant 0 : index
    %get3A_208 = tpu.vector_load %arg7[%get3A_206, %get3A_207] {strides = array<i32>} : memref<16x256xi32, #tpu.memory_space<vmem>>, vector<16xi32>,
    %add3A_209 = arith.addi %add3A_204, %get3A_208 : vector<16xi32>
    %get3A_210 = arith.constant 12 : i32
    %get3A_211 = arith.index_cast %get3A_210 : i32 to index
    %get3A_212 = arith.constant 0 : index
    %get3A_213 = tpu.vector_load %arg7[%get3A_211, %get3A_212] {strides = array<i32>} : memref<16x256xi32, #tpu.memory_space<vmem>>, vector<16xi32>,
    %add3A_214 = arith.addi %add3A_209, %get3A_213 : vector<16xi32>
    %get3A_215 = arith.constant 13 : i32
    %get3A_216 = arith.index_cast %get3A_215 : i32 to index
    %get3A_217 = arith.constant 0 : index
    %get3A_218 = tpu.vector_load %arg7[%get3A_216, %get3A_217] {strides = array<i32>} : memref<16x256xi32, #tpu.memory_space<vmem>>, vector<16xi32>,
    %add3A_219 = arith.addi %add3A_214, %get3A_218 : vector<16xi32>
    %get3A_220 = arith.constant 14 : i32
    %get3A_221 = arith.index_cast %get3A_220 : i32 to index
    %get3A_222 = arith.constant 0 : index
    %get3A_223 = tpu.vector_load %arg7[%get3A_221, %get3A_222] {strides = array<i32>} : memref<16x256xi32, #tpu.memory_space<vmem>>, vector<16xi32>,
    %add3A_224 = arith.addi %add3A_219, %get3A_223 : vector<16xi32>
    %get3A_225 = arith.constant 15 : i32
    %get3A_226 = arith.index_cast %get3A_225 : i32 to index
    %get3A_227 = arith.constant 0 : index
    %get3A_228 = tpu.vector_load %arg7[%get3A_226, %get3A_227] {strides = array<i32>} : memref<16x256xi32, #tpu.memory_space<vmem>>, vector<16xi32>,
    %add3A_229 = arith.addi %add3A_224, %get3A_228 : vector<16xi32>
    %gt3A = arith.constant 0 : i32
    %gt3A_230 = vector.broadcast %gt3A : i32 to vector<16xi32>
    %gt3A_231 = arith.cmpi sgt, %add3A_229, %gt3A_230 : vector<16xi32>
    %convert_element_type3A = arith.extui %gt3A_231 : vector<16xi1> to vector<16xi32>
    %broadcast_in_dim3A_232 = arith.constant true
    %broadcast_in_dim3A_233 = vector.broadcast %broadcast_in_dim3A_232 : i1 to vector<16xi1>
    %masked_cumsum3A = tpu.scan <sum>, %convert_element_type3A masked %broadcast_in_dim3A_233 : vector<16xi32>, vector<16xi1> -> vector<16xi32>
    %sub3A = arith.subi %masked_cumsum3A, %convert_element_type3A : vector<16xi32>
    %add3A_234 = arith.constant 0 : i32
    %add3A_235 = vector.broadcast %add3A_234 : i32 to vector<16xi32>
    %add3A_236 = arith.addi %sub3A, %add3A_235 : vector<16xi32>
    %swap3A_237 = arith.constant 0 : index
    %swap3A_238 = tpu.vector_load %arg8[%swap3A_237] {strides = array<i32>} : memref<64xi32, #tpu.memory_space<vmem>>, vector<16xi32>,
    tpu.vector_store %arg8[%swap3A_237], %add3A_236 {strides = array<i32>} : memref<64xi32, #tpu.memory_space<vmem>>, vector<16xi32>,
    %reduce_sum3A = arith.constant true
    %reduce_sum3A_239 = vector.broadcast %reduce_sum3A : i1 to vector<16xi1>
    %reduce_sum3A_240 = tpu.scan <sum>, %convert_element_type3A masked %reduce_sum3A_239 : vector<16xi32>, vector<16xi1> -> vector<16xi32>
    %reduce_sum3A_241 = vector.extract %reduce_sum3A_240[15] : i32 from vector<16xi32>
    %add3A_242 = arith.constant 0 : i32
    %add3A_243 = arith.addi %add3A_242, %reduce_sum3A_241 : i32
    %get3A_244 = arith.constant 0 : i32
    %get3A_245 = arith.index_cast %get3A_244 : i32 to index
    %get3A_246 = arith.constant 16 : index
    %get3A_247 = tpu.vector_load %arg7[%get3A_245, %get3A_246] {strides = array<i32>} : memref<16x256xi32, #tpu.memory_space<vmem>>, vector<16xi32>,
    %add3A_248 = arith.addi %broadcast_in_dim3A_12, %get3A_247 : vector<16xi32>
    %get3A_249 = arith.constant 1 : i32
    %get3A_250 = arith.index_cast %get3A_249 : i32 to index
    %get3A_251 = arith.constant 16 : index
    %get3A_252 = tpu.vector_load %arg7[%get3A_250, %get3A_251] {strides = array<i32>} : memref<16x256xi32, #tpu.memory_space<vmem>>, vector<16xi32>,
    %add3A_253 = arith.addi %add3A_248, %get3A_252 : vector<16xi32>
    %get3A_254 = arith.constant 2 : i32
    %get3A_255 = arith.index_cast %get3A_254 : i32 to index
    %get3A_256 = arith.constant 16 : index
    %get3A_257 = tpu.vector_load %arg7[%get3A_255, %get3A_256] {strides = array<i32>} : memref<16x256xi32, #tpu.memory_space<vmem>>, vector<16xi32>,
    %add3A_258 = arith.addi %add3A_253, %get3A_257 : vector<16xi32>
    %get3A_259 = arith.constant 3 : i32
    %get3A_260 = arith.index_cast %get3A_259 : i32 to index
    %get3A_261 = arith.constant 16 : index
    %get3A_262 = tpu.vector_load %arg7[%get3A_260, %get3A_261] {strides = array<i32>} : memref<16x256xi32, #tpu.memory_space<vmem>>, vector<16xi32>,
    %add3A_263 = arith.addi %add3A_258, %get3A_262 : vector<16xi32>
    %get3A_264 = arith.constant 4 : i32
    %get3A_265 = arith.index_cast %get3A_264 : i32 to index
    %get3A_266 = arith.constant 16 : index
    %get3A_267 = tpu.vector_load %arg7[%get3A_265, %get3A_266] {strides = array<i32>} : memref<16x256xi32, #tpu.memory_space<vmem>>, vector<16xi32>,
    %add3A_268 = arith.addi %add3A_263, %get3A_267 : vector<16xi32>
    %get3A_269 = arith.constant 5 : i32
    %get3A_270 = arith.index_cast %get3A_269 : i32 to index
    %get3A_271 = arith.constant 16 : index
    %get3A_272 = tpu.vector_load %arg7[%get3A_270, %get3A_271] {strides = array<i32>} : memref<16x256xi32, #tpu.memory_space<vmem>>, vector<16xi32>,
    %add3A_273 = arith.addi %add3A_268, %get3A_272 : vector<16xi32>
    %get3A_274 = arith.constant 6 : i32
    %get3A_275 = arith.index_cast %get3A_274 : i32 to index
    %get3A_276 = arith.constant 16 : index
    %get3A_277 = tpu.vector_load %arg7[%get3A_275, %get3A_276] {strides = array<i32>} : memref<16x256xi32, #tpu.memory_space<vmem>>, vector<16xi32>,
    %add3A_278 = arith.addi %add3A_273, %get3A_277 : vector<16xi32>
    %get3A_279 = arith.constant 7 : i32
    %get3A_280 = arith.index_cast %get3A_279 : i32 to index
    %get3A_281 = arith.constant 16 : index
    %get3A_282 = tpu.vector_load %arg7[%get3A_280, %get3A_281] {strides = array<i32>} : memref<16x256xi32, #tpu.memory_space<vmem>>, vector<16xi32>,
    %add3A_283 = arith.addi %add3A_278, %get3A_282 : vector<16xi32>
    %get3A_284 = arith.constant 8 : i32
    %get3A_285 = arith.index_cast %get3A_284 : i32 to index
    %get3A_286 = arith.constant 16 : index
    %get3A_287 = tpu.vector_load %arg7[%get3A_285, %get3A_286] {strides = array<i32>} : memref<16x256xi32, #tpu.memory_space<vmem>>, vector<16xi32>,
    %add3A_288 = arith.addi %add3A_283, %get3A_287 : vector<16xi32>
    %get3A_289 = arith.constant 9 : i32
    %get3A_290 = arith.index_cast %get3A_289 : i32 to index
    %get3A_291 = arith.constant 16 : index
    %get3A_292 = tpu.vector_load %arg7[%get3A_290, %get3A_291] {strides = array<i32>} : memref<16x256xi32, #tpu.memory_space<vmem>>, vector<16xi32>,
    %add3A_293 = arith.addi %add3A_288, %get3A_292 : vector<16xi32>
    %get3A_294 = arith.constant 10 : i32
    %get3A_295 = arith.index_cast %get3A_294 : i32 to index
    %get3A_296 = arith.constant 16 : index
    %get3A_297 = tpu.vector_load %arg7[%get3A_295, %get3A_296] {strides = array<i32>} : memref<16x256xi32, #tpu.memory_space<vmem>>, vector<16xi32>,
    %add3A_298 = arith.addi %add3A_293, %get3A_297 : vector<16xi32>
    %get3A_299 = arith.constant 11 : i32
    %get3A_300 = arith.index_cast %get3A_299 : i32 to index
    %get3A_301 = arith.constant 16 : index
    %get3A_302 = tpu.vector_load %arg7[%get3A_300, %get3A_301] {strides = array<i32>} : memref<16x256xi32, #tpu.memory_space<vmem>>, vector<16xi32>,
    %add3A_303 = arith.addi %add3A_298, %get3A_302 : vector<16xi32>
    %get3A_304 = arith.constant 12 : i32
    %get3A_305 = arith.index_cast %get3A_304 : i32 to index
    %get3A_306 = arith.constant 16 : index
    %get3A_307 = tpu.vector_load %arg7[%get3A_305, %get3A_306] {strides = array<i32>} : memref<16x256xi32, #tpu.memory_space<vmem>>, vector<16xi32>,
    %add3A_308 = arith.addi %add3A_303, %get3A_307 : vector<16xi32>
    %get3A_309 = arith.constant 13 : i32
    %get3A_310 = arith.index_cast %get3A_309 : i32 to index
    %get3A_311 = arith.constant 16 : index
    %get3A_312 = tpu.vector_load %arg7[%get3A_310, %get3A_311] {strides = array<i32>} : memref<16x256xi32, #tpu.memory_space<vmem>>, vector<16xi32>,
    %add3A_313 = arith.addi %add3A_308, %get3A_312 : vector<16xi32>
    %get3A_314 = arith.constant 14 : i32
    %get3A_315 = arith.index_cast %get3A_314 : i32 to index
    %get3A_316 = arith.constant 16 : index
    %get3A_317 = tpu.vector_load %arg7[%get3A_315, %get3A_316] {strides = array<i32>} : memref<16x256xi32, #tpu.memory_space<vmem>>, vector<16xi32>,
    %add3A_318 = arith.addi %add3A_313, %get3A_317 : vector<16xi32>
    %get3A_319 = arith.constant 15 : i32
    %get3A_320 = arith.index_cast %get3A_319 : i32 to index
    %get3A_321 = arith.constant 16 : index
    %get3A_322 = tpu.vector_load %arg7[%get3A_320, %get3A_321] {strides = array<i32>} : memref<16x256xi32, #tpu.memory_space<vmem>>, vector<16xi32>,
    %add3A_323 = arith.addi %add3A_318, %get3A_322 : vector<16xi32>
    %gt3A_324 = arith.constant 0 : i32
    %gt3A_325 = vector.broadcast %gt3A_324 : i32 to vector<16xi32>
    %gt3A_326 = arith.cmpi sgt, %add3A_323, %gt3A_325 : vector<16xi32>
    %convert_element_type3A_327 = arith.extui %gt3A_326 : vector<16xi1> to vector<16xi32>
    %broadcast_in_dim3A_328 = arith.constant true
    %broadcast_in_dim3A_329 = vector.broadcast %broadcast_in_dim3A_328 : i1 to vector<16xi1>
    %masked_cumsum3A_330 = tpu.scan <sum>, %convert_element_type3A_327 masked %broadcast_in_dim3A_329 : vector<16xi32>, vector<16xi1> -> vector<16xi32>
    %sub3A_331 = arith.subi %masked_cumsum3A_330, %convert_element_type3A_327 : vector<16xi32>
    %add3A_332 = vector.broadcast %add3A_243 : i32 to vector<16xi32>
    %add3A_333 = arith.addi %sub3A_331, %add3A_332 : vector<16xi32>
    %swap3A_334 = arith.constant 16 : index
    %swap3A_335 = tpu.vector_load %arg8[%swap3A_334] {strides = array<i32>} : memref<64xi32, #tpu.memory_space<vmem>>, vector<16xi32>,
    tpu.vector_store %arg8[%swap3A_334], %add3A_333 {strides = array<i32>} : memref<64xi32, #tpu.memory_space<vmem>>, vector<16xi32>,
    %reduce_sum3A_336 = arith.constant true
    %reduce_sum3A_337 = vector.broadcast %reduce_sum3A_336 : i1 to vector<16xi1>
    %reduce_sum3A_338 = tpu.scan <sum>, %convert_element_type3A_327 masked %reduce_sum3A_337 : vector<16xi32>, vector<16xi1> -> vector<16xi32>
    %reduce_sum3A_339 = vector.extract %reduce_sum3A_338[15] : i32 from vector<16xi32>
    %add3A_340 = arith.addi %add3A_243, %reduce_sum3A_339 : i32
    %get3A_341 = arith.constant 0 : i32
    %get3A_342 = arith.index_cast %get3A_341 : i32 to index
    %get3A_343 = arith.constant 32 : index
    %get3A_344 = tpu.vector_load %arg7[%get3A_342, %get3A_343] {strides = array<i32>} : memref<16x256xi32, #tpu.memory_space<vmem>>, vector<16xi32>,
    %add3A_345 = arith.addi %broadcast_in_dim3A_12, %get3A_344 : vector<16xi32>
    %get3A_346 = arith.constant 1 : i32
    %get3A_347 = arith.index_cast %get3A_346 : i32 to index
    %get3A_348 = arith.constant 32 : index
    %get3A_349 = tpu.vector_load %arg7[%get3A_347, %get3A_348] {strides = array<i32>} : memref<16x256xi32, #tpu.memory_space<vmem>>, vector<16xi32>,
    %add3A_350 = arith.addi %add3A_345, %get3A_349 : vector<16xi32>
    %get3A_351 = arith.constant 2 : i32
    %get3A_352 = arith.index_cast %get3A_351 : i32 to index
    %get3A_353 = arith.constant 32 : index
    %get3A_354 = tpu.vector_load %arg7[%get3A_352, %get3A_353] {strides = array<i32>} : memref<16x256xi32, #tpu.memory_space<vmem>>, vector<16xi32>,
    %add3A_355 = arith.addi %add3A_350, %get3A_354 : vector<16xi32>
    %get3A_356 = arith.constant 3 : i32
    %get3A_357 = arith.index_cast %get3A_356 : i32 to index
    %get3A_358 = arith.constant 32 : index
    %get3A_359 = tpu.vector_load %arg7[%get3A_357, %get3A_358] {strides = array<i32>} : memref<16x256xi32, #tpu.memory_space<vmem>>, vector<16xi32>,
    %add3A_360 = arith.addi %add3A_355, %get3A_359 : vector<16xi32>
    %get3A_361 = arith.constant 4 : i32
    %get3A_362 = arith.index_cast %get3A_361 : i32 to index
    %get3A_363 = arith.constant 32 : index
    %get3A_364 = tpu.vector_load %arg7[%get3A_362, %get3A_363] {strides = array<i32>} : memref<16x256xi32, #tpu.memory_space<vmem>>, vector<16xi32>,
    %add3A_365 = arith.addi %add3A_360, %get3A_364 : vector<16xi32>
    %get3A_366 = arith.constant 5 : i32
    %get3A_367 = arith.index_cast %get3A_366 : i32 to index
    %get3A_368 = arith.constant 32 : index
    %get3A_369 = tpu.vector_load %arg7[%get3A_367, %get3A_368] {strides = array<i32>} : memref<16x256xi32, #tpu.memory_space<vmem>>, vector<16xi32>,
    %add3A_370 = arith.addi %add3A_365, %get3A_369 : vector<16xi32>
    %get3A_371 = arith.constant 6 : i32
    %get3A_372 = arith.index_cast %get3A_371 : i32 to index
    %get3A_373 = arith.constant 32 : index
    %get3A_374 = tpu.vector_load %arg7[%get3A_372, %get3A_373] {strides = array<i32>} : memref<16x256xi32, #tpu.memory_space<vmem>>, vector<16xi32>,
    %add3A_375 = arith.addi %add3A_370, %get3A_374 : vector<16xi32>
    %get3A_376 = arith.constant 7 : i32
    %get3A_377 = arith.index_cast %get3A_376 : i32 to index
    %get3A_378 = arith.constant 32 : index
    %get3A_379 = tpu.vector_load %arg7[%get3A_377, %get3A_378] {strides = array<i32>} : memref<16x256xi32, #tpu.memory_space<vmem>>, vector<16xi32>,
    %add3A_380 = arith.addi %add3A_375, %get3A_379 : vector<16xi32>
    %get3A_381 = arith.constant 8 : i32
    %get3A_382 = arith.index_cast %get3A_381 : i32 to index
    %get3A_383 = arith.constant 32 : index
    %get3A_384 = tpu.vector_load %arg7[%get3A_382, %get3A_383] {strides = array<i32>} : memref<16x256xi32, #tpu.memory_space<vmem>>, vector<16xi32>,
    %add3A_385 = arith.addi %add3A_380, %get3A_384 : vector<16xi32>
    %get3A_386 = arith.constant 9 : i32
    %get3A_387 = arith.index_cast %get3A_386 : i32 to index
    %get3A_388 = arith.constant 32 : index
    %get3A_389 = tpu.vector_load %arg7[%get3A_387, %get3A_388] {strides = array<i32>} : memref<16x256xi32, #tpu.memory_space<vmem>>, vector<16xi32>,
    %add3A_390 = arith.addi %add3A_385, %get3A_389 : vector<16xi32>
    %get3A_391 = arith.constant 10 : i32
    %get3A_392 = arith.index_cast %get3A_391 : i32 to index
    %get3A_393 = arith.constant 32 : index
    %get3A_394 = tpu.vector_load %arg7[%get3A_392, %get3A_393] {strides = array<i32>} : memref<16x256xi32, #tpu.memory_space<vmem>>, vector<16xi32>,
    %add3A_395 = arith.addi %add3A_390, %get3A_394 : vector<16xi32>
    %get3A_396 = arith.constant 11 : i32
    %get3A_397 = arith.index_cast %get3A_396 : i32 to index
    %get3A_398 = arith.constant 32 : index
    %get3A_399 = tpu.vector_load %arg7[%get3A_397, %get3A_398] {strides = array<i32>} : memref<16x256xi32, #tpu.memory_space<vmem>>, vector<16xi32>,
    %add3A_400 = arith.addi %add3A_395, %get3A_399 : vector<16xi32>
    %get3A_401 = arith.constant 12 : i32
    %get3A_402 = arith.index_cast %get3A_401 : i32 to index
    %get3A_403 = arith.constant 32 : index
    %get3A_404 = tpu.vector_load %arg7[%get3A_402, %get3A_403] {strides = array<i32>} : memref<16x256xi32, #tpu.memory_space<vmem>>, vector<16xi32>,
    %add3A_405 = arith.addi %add3A_400, %get3A_404 : vector<16xi32>
    %get3A_406 = arith.constant 13 : i32
    %get3A_407 = arith.index_cast %get3A_406 : i32 to index
    %get3A_408 = arith.constant 32 : index
    %get3A_409 = tpu.vector_load %arg7[%get3A_407, %get3A_408] {strides = array<i32>} : memref<16x256xi32, #tpu.memory_space<vmem>>, vector<16xi32>,
    %add3A_410 = arith.addi %add3A_405, %get3A_409 : vector<16xi32>
    %get3A_411 = arith.constant 14 : i32
    %get3A_412 = arith.index_cast %get3A_411 : i32 to index
    %get3A_413 = arith.constant 32 : index
    %get3A_414 = tpu.vector_load %arg7[%get3A_412, %get3A_413] {strides = array<i32>} : memref<16x256xi32, #tpu.memory_space<vmem>>, vector<16xi32>,
    %add3A_415 = arith.addi %add3A_410, %get3A_414 : vector<16xi32>
    %get3A_416 = arith.constant 15 : i32
    %get3A_417 = arith.index_cast %get3A_416 : i32 to index
    %get3A_418 = arith.constant 32 : index
    %get3A_419 = tpu.vector_load %arg7[%get3A_417, %get3A_418] {strides = array<i32>} : memref<16x256xi32, #tpu.memory_space<vmem>>, vector<16xi32>,
    %add3A_420 = arith.addi %add3A_415, %get3A_419 : vector<16xi32>
    %gt3A_421 = arith.constant 0 : i32
    %gt3A_422 = vector.broadcast %gt3A_421 : i32 to vector<16xi32>
    %gt3A_423 = arith.cmpi sgt, %add3A_420, %gt3A_422 : vector<16xi32>
    %convert_element_type3A_424 = arith.extui %gt3A_423 : vector<16xi1> to vector<16xi32>
    %broadcast_in_dim3A_425 = arith.constant true
    %broadcast_in_dim3A_426 = vector.broadcast %broadcast_in_dim3A_425 : i1 to vector<16xi1>
    %masked_cumsum3A_427 = tpu.scan <sum>, %convert_element_type3A_424 masked %broadcast_in_dim3A_426 : vector<16xi32>, vector<16xi1> -> vector<16xi32>
    %sub3A_428 = arith.subi %masked_cumsum3A_427, %convert_element_type3A_424 : vector<16xi32>
    %add3A_429 = vector.broadcast %add3A_340 : i32 to vector<16xi32>
    %add3A_430 = arith.addi %sub3A_428, %add3A_429 : vector<16xi32>
    %swap3A_431 = arith.constant 32 : index
    %swap3A_432 = tpu.vector_load %arg8[%swap3A_431] {strides = array<i32>} : memref<64xi32, #tpu.memory_space<vmem>>, vector<16xi32>,
    tpu.vector_store %arg8[%swap3A_431], %add3A_430 {strides = array<i32>} : memref<64xi32, #tpu.memory_space<vmem>>, vector<16xi32>,
    %reduce_sum3A_433 = arith.constant true
    %reduce_sum3A_434 = vector.broadcast %reduce_sum3A_433 : i1 to vector<16xi1>
    %reduce_sum3A_435 = tpu.scan <sum>, %convert_element_type3A_424 masked %reduce_sum3A_434 : vector<16xi32>, vector<16xi1> -> vector<16xi32>
    %reduce_sum3A_436 = vector.extract %reduce_sum3A_435[15] : i32 from vector<16xi32>
    %add3A_437 = arith.addi %add3A_340, %reduce_sum3A_436 : i32
    %get3A_438 = arith.constant 0 : i32
    %get3A_439 = arith.index_cast %get3A_438 : i32 to index
    %get3A_440 = arith.constant 48 : index
    %get3A_441 = tpu.vector_load %arg7[%get3A_439, %get3A_440] {strides = array<i32>} : memref<16x256xi32, #tpu.memory_space<vmem>>, vector<16xi32>,
    %add3A_442 = arith.addi %broadcast_in_dim3A_12, %get3A_441 : vector<16xi32>
    %get3A_443 = arith.constant 1 : i32
    %get3A_444 = arith.index_cast %get3A_443 : i32 to index
    %get3A_445 = arith.constant 48 : index
    %get3A_446 = tpu.vector_load %arg7[%get3A_444, %get3A_445] {strides = array<i32>} : memref<16x256xi32, #tpu.memory_space<vmem>>, vector<16xi32>,
    %add3A_447 = arith.addi %add3A_442, %get3A_446 : vector<16xi32>
    %get3A_448 = arith.constant 2 : i32
    %get3A_449 = arith.index_cast %get3A_448 : i32 to index
    %get3A_450 = arith.constant 48 : index
    %get3A_451 = tpu.vector_load %arg7[%get3A_449, %get3A_450] {strides = array<i32>} : memref<16x256xi32, #tpu.memory_space<vmem>>, vector<16xi32>,
    %add3A_452 = arith.addi %add3A_447, %get3A_451 : vector<16xi32>
    %get3A_453 = arith.constant 3 : i32
    %get3A_454 = arith.index_cast %get3A_453 : i32 to index
    %get3A_455 = arith.constant 48 : index
    %get3A_456 = tpu.vector_load %arg7[%get3A_454, %get3A_455] {strides = array<i32>} : memref<16x256xi32, #tpu.memory_space<vmem>>, vector<16xi32>,
    %add3A_457 = arith.addi %add3A_452, %get3A_456 : vector<16xi32>
    %get3A_458 = arith.constant 4 : i32
    %get3A_459 = arith.index_cast %get3A_458 : i32 to index
    %get3A_460 = arith.constant 48 : index
    %get3A_461 = tpu.vector_load %arg7[%get3A_459, %get3A_460] {strides = array<i32>} : memref<16x256xi32, #tpu.memory_space<vmem>>, vector<16xi32>,
    %add3A_462 = arith.addi %add3A_457, %get3A_461 : vector<16xi32>
    %get3A_463 = arith.constant 5 : i32
    %get3A_464 = arith.index_cast %get3A_463 : i32 to index
    %get3A_465 = arith.constant 48 : index
    %get3A_466 = tpu.vector_load %arg7[%get3A_464, %get3A_465] {strides = array<i32>} : memref<16x256xi32, #tpu.memory_space<vmem>>, vector<16xi32>,
    %add3A_467 = arith.addi %add3A_462, %get3A_466 : vector<16xi32>
    %get3A_468 = arith.constant 6 : i32
    %get3A_469 = arith.index_cast %get3A_468 : i32 to index
    %get3A_470 = arith.constant 48 : index
    %get3A_471 = tpu.vector_load %arg7[%get3A_469, %get3A_470] {strides = array<i32>} : memref<16x256xi32, #tpu.memory_space<vmem>>, vector<16xi32>,
    %add3A_472 = arith.addi %add3A_467, %get3A_471 : vector<16xi32>
    %get3A_473 = arith.constant 7 : i32
    %get3A_474 = arith.index_cast %get3A_473 : i32 to index
    %get3A_475 = arith.constant 48 : index
    %get3A_476 = tpu.vector_load %arg7[%get3A_474, %get3A_475] {strides = array<i32>} : memref<16x256xi32, #tpu.memory_space<vmem>>, vector<16xi32>,
    %add3A_477 = arith.addi %add3A_472, %get3A_476 : vector<16xi32>
    %get3A_478 = arith.constant 8 : i32
    %get3A_479 = arith.index_cast %get3A_478 : i32 to index
    %get3A_480 = arith.constant 48 : index
    %get3A_481 = tpu.vector_load %arg7[%get3A_479, %get3A_480] {strides = array<i32>} : memref<16x256xi32, #tpu.memory_space<vmem>>, vector<16xi32>,
    %add3A_482 = arith.addi %add3A_477, %get3A_481 : vector<16xi32>
    %get3A_483 = arith.constant 9 : i32
    %get3A_484 = arith.index_cast %get3A_483 : i32 to index
    %get3A_485 = arith.constant 48 : index
    %get3A_486 = tpu.vector_load %arg7[%get3A_484, %get3A_485] {strides = array<i32>} : memref<16x256xi32, #tpu.memory_space<vmem>>, vector<16xi32>,
    %add3A_487 = arith.addi %add3A_482, %get3A_486 : vector<16xi32>
    %get3A_488 = arith.constant 10 : i32
    %get3A_489 = arith.index_cast %get3A_488 : i32 to index
    %get3A_490 = arith.constant 48 : index
    %get3A_491 = tpu.vector_load %arg7[%get3A_489, %get3A_490] {strides = array<i32>} : memref<16x256xi32, #tpu.memory_space<vmem>>, vector<16xi32>,
    %add3A_492 = arith.addi %add3A_487, %get3A_491 : vector<16xi32>
    %get3A_493 = arith.constant 11 : i32
    %get3A_494 = arith.index_cast %get3A_493 : i32 to index
    %get3A_495 = arith.constant 48 : index
    %get3A_496 = tpu.vector_load %arg7[%get3A_494, %get3A_495] {strides = array<i32>} : memref<16x256xi32, #tpu.memory_space<vmem>>, vector<16xi32>,
    %add3A_497 = arith.addi %add3A_492, %get3A_496 : vector<16xi32>
    %get3A_498 = arith.constant 12 : i32
    %get3A_499 = arith.index_cast %get3A_498 : i32 to index
    %get3A_500 = arith.constant 48 : index
    %get3A_501 = tpu.vector_load %arg7[%get3A_499, %get3A_500] {strides = array<i32>} : memref<16x256xi32, #tpu.memory_space<vmem>>, vector<16xi32>,
    %add3A_502 = arith.addi %add3A_497, %get3A_501 : vector<16xi32>
    %get3A_503 = arith.constant 13 : i32
    %get3A_504 = arith.index_cast %get3A_503 : i32 to index
    %get3A_505 = arith.constant 48 : index
    %get3A_506 = tpu.vector_load %arg7[%get3A_504, %get3A_505] {strides = array<i32>} : memref<16x256xi32, #tpu.memory_space<vmem>>, vector<16xi32>,
    %add3A_507 = arith.addi %add3A_502, %get3A_506 : vector<16xi32>
    %get3A_508 = arith.constant 14 : i32
    %get3A_509 = arith.index_cast %get3A_508 : i32 to index
    %get3A_510 = arith.constant 48 : index
    %get3A_511 = tpu.vector_load %arg7[%get3A_509, %get3A_510] {strides = array<i32>} : memref<16x256xi32, #tpu.memory_space<vmem>>, vector<16xi32>,
    %add3A_512 = arith.addi %add3A_507, %get3A_511 : vector<16xi32>
    %get3A_513 = arith.constant 15 : i32
    %get3A_514 = arith.index_cast %get3A_513 : i32 to index
    %get3A_515 = arith.constant 48 : index
    %get3A_516 = tpu.vector_load %arg7[%get3A_514, %get3A_515] {strides = array<i32>} : memref<16x256xi32, #tpu.memory_space<vmem>>, vector<16xi32>,
    %add3A_517 = arith.addi %add3A_512, %get3A_516 : vector<16xi32>
    %gt3A_518 = arith.constant 0 : i32
    %gt3A_519 = vector.broadcast %gt3A_518 : i32 to vector<16xi32>
    %gt3A_520 = arith.cmpi sgt, %add3A_517, %gt3A_519 : vector<16xi32>
    %convert_element_type3A_521 = arith.extui %gt3A_520 : vector<16xi1> to vector<16xi32>
    %broadcast_in_dim3A_522 = arith.constant true
    %broadcast_in_dim3A_523 = vector.broadcast %broadcast_in_dim3A_522 : i1 to vector<16xi1>
    %masked_cumsum3A_524 = tpu.scan <sum>, %convert_element_type3A_521 masked %broadcast_in_dim3A_523 : vector<16xi32>, vector<16xi1> -> vector<16xi32>
    %sub3A_525 = arith.subi %masked_cumsum3A_524, %convert_element_type3A_521 : vector<16xi32>
    %add3A_526 = vector.broadcast %add3A_437 : i32 to vector<16xi32>
    %add3A_527 = arith.addi %sub3A_525, %add3A_526 : vector<16xi32>
    %swap3A_528 = arith.constant 48 : index
    %swap3A_529 = tpu.vector_load %arg8[%swap3A_528] {strides = array<i32>} : memref<64xi32, #tpu.memory_space<vmem>>, vector<16xi32>,
    tpu.vector_store %arg8[%swap3A_528], %add3A_527 {strides = array<i32>} : memref<64xi32, #tpu.memory_space<vmem>>, vector<16xi32>,
    %reduce_sum3A_530 = arith.constant true
    %reduce_sum3A_531 = vector.broadcast %reduce_sum3A_530 : i1 to vector<16xi1>
    %reduce_sum3A_532 = tpu.scan <sum>, %convert_element_type3A_521 masked %reduce_sum3A_531 : vector<16xi32>, vector<16xi1> -> vector<16xi32>
    %reduce_sum3A_533 = vector.extract %reduce_sum3A_532[15] : i32 from vector<16xi32>
    %add3A_534 = arith.addi %add3A_437, %reduce_sum3A_533 : i32
    %add3A_535 = arith.constant 0 : i32
    %add3A_536 = arith.addi %mul3A_7, %add3A_535 : i32
    %add3A_537 = arith.constant 0 : i32
    %add3A_538 = arith.addi %add3A_536, %add3A_537 : i32
    %get3A_539 = arith.index_cast %add3A_538 : i32 to index
    %get3A_540 = tpu.vector_load %arg5[%get3A_539] {strides = array<i32>} : memref<1024xi32, #tpu.memory_space<vmem>>, vector<16xi32>,
    %gather3A = tpu.vector_load_idx %arg8[%get3A_540] : memref<64xi32, #tpu.memory_space<vmem>>[vector<16xi32>], vector<16xi32>,
    %swap3A_541 = arith.constant 0 : i32
    %swap3A_542 = arith.index_cast %swap3A_541 : i32 to index
    %swap3A_543 = arith.constant 0 : index
    %swap3A_544 = tpu.vector_load %arg9[%swap3A_542, %swap3A_543] {strides = array<i32>} : memref<8x64xi32, #tpu.memory_space<vmem>>, vector<16xi32>,
    tpu.vector_store %arg9[%swap3A_542, %swap3A_543], %gather3A {strides = array<i32>} : memref<8x64xi32, #tpu.memory_space<vmem>>, vector<16xi32>,
    %add3A_545 = arith.constant 0 : i32
    %add3A_546 = arith.addi %mul3A_7, %add3A_545 : i32
    %add3A_547 = arith.constant 16 : i32
    %add3A_548 = arith.addi %add3A_546, %add3A_547 : i32
    %get3A_549 = arith.index_cast %add3A_548 : i32 to index
    %get3A_550 = tpu.vector_load %arg5[%get3A_549] {strides = array<i32>} : memref<1024xi32, #tpu.memory_space<vmem>>, vector<16xi32>,
    %gather3A_551 = tpu.vector_load_idx %arg8[%get3A_550] : memref<64xi32, #tpu.memory_space<vmem>>[vector<16xi32>], vector<16xi32>,
    %swap3A_552 = arith.constant 0 : i32
    %swap3A_553 = arith.index_cast %swap3A_552 : i32 to index
    %swap3A_554 = arith.constant 16 : index
    %swap3A_555 = tpu.vector_load %arg9[%swap3A_553, %swap3A_554] {strides = array<i32>} : memref<8x64xi32, #tpu.memory_space<vmem>>, vector<16xi32>,
    tpu.vector_store %arg9[%swap3A_553, %swap3A_554], %gather3A_551 {strides = array<i32>} : memref<8x64xi32, #tpu.memory_space<vmem>>, vector<16xi32>,
    %add3A_556 = arith.constant 0 : i32
    %add3A_557 = arith.addi %mul3A_7, %add3A_556 : i32
    %add3A_558 = arith.constant 32 : i32
    %add3A_559 = arith.addi %add3A_557, %add3A_558 : i32
    %get3A_560 = arith.index_cast %add3A_559 : i32 to index
    %get3A_561 = tpu.vector_load %arg5[%get3A_560] {strides = array<i32>} : memref<1024xi32, #tpu.memory_space<vmem>>, vector<16xi32>,
    %gather3A_562 = tpu.vector_load_idx %arg8[%get3A_561] : memref<64xi32, #tpu.memory_space<vmem>>[vector<16xi32>], vector<16xi32>,
    %swap3A_563 = arith.constant 0 : i32
    %swap3A_564 = arith.index_cast %swap3A_563 : i32 to index
    %swap3A_565 = arith.constant 32 : index
    %swap3A_566 = tpu.vector_load %arg9[%swap3A_564, %swap3A_565] {strides = array<i32>} : memref<8x64xi32, #tpu.memory_space<vmem>>, vector<16xi32>,
    tpu.vector_store %arg9[%swap3A_564, %swap3A_565], %gather3A_562 {strides = array<i32>} : memref<8x64xi32, #tpu.memory_space<vmem>>, vector<16xi32>,
    %add3A_567 = arith.constant 0 : i32
    %add3A_568 = arith.addi %mul3A_7, %add3A_567 : i32
    %add3A_569 = arith.constant 48 : i32
    %add3A_570 = arith.addi %add3A_568, %add3A_569 : i32
    %get3A_571 = arith.index_cast %add3A_570 : i32 to index
    %get3A_572 = tpu.vector_load %arg5[%get3A_571] {strides = array<i32>} : memref<1024xi32, #tpu.memory_space<vmem>>, vector<16xi32>,
    %gather3A_573 = tpu.vector_load_idx %arg8[%get3A_572] : memref<64xi32, #tpu.memory_space<vmem>>[vector<16xi32>], vector<16xi32>,
    %swap3A_574 = arith.constant 0 : i32
    %swap3A_575 = arith.index_cast %swap3A_574 : i32 to index
    %swap3A_576 = arith.constant 48 : index
    %swap3A_577 = tpu.vector_load %arg9[%swap3A_575, %swap3A_576] {strides = array<i32>} : memref<8x64xi32, #tpu.memory_space<vmem>>, vector<16xi32>,
    tpu.vector_store %arg9[%swap3A_575, %swap3A_576], %gather3A_573 {strides = array<i32>} : memref<8x64xi32, #tpu.memory_space<vmem>>, vector<16xi32>,
    %dma_start3A_578 = arith.constant 0 : i32
    %dma_start3A_579 = arith.constant 0 : i32
    %dma_start3A_580 = arith.constant 0 : i32
    %dma_start3A_581 = tpu.memref_slice %arg10[%dma_start3A_579, %dma_start3A_580] : memref<512x128xf32, #tpu.memory_space<vmem>> -> memref<64x128xf32, #tpu.memory_space<vmem>>
    %dma_start3A_582 = arith.constant 0 : i32
    %dma_start3A_583 = tpu.memref_slice %arg9[%dma_start3A_578, %dma_start3A_582] : memref<8x64xi32, #tpu.memory_space<vmem>> -> memref<1x64xi32, #tpu.memory_space<vmem>>
    %dma_start3A_584 = tpu.memref_squeeze %dma_start3A_583 : memref<1x64xi32, #tpu.memory_space<vmem>> -> memref<64xi32, #tpu.memory_space<vmem>>
    %dma_start3A_585 = arith.constant 0 : i32
    %dma_start3A_586 = arith.constant 0 : i32
    %dma_start3A_587 = tpu.memref_slice %arg11[%dma_start3A_585, %dma_start3A_586] : memref<64x128xf32, #tpu.memory_space<vmem_shared>> -> memref<64x128xf32, #tpu.memory_space<vmem_shared>>
    tpu.enqueue_indirect_dma source(%dma_start3A_587 : memref<64x128xf32, #tpu.memory_space<vmem_shared>>) target(%dma_start3A_581 : memref<64x128xf32, #tpu.memory_space<vmem>>) offsets(%dma_start3A_584 : memref<64xi32, #tpu.memory_space<vmem>>) semaphore(%arg13 : memref<!tpu.dma_semaphore, #tpu.memory_space<semaphore_mem>>)
    %add3A_588 = arith.constant 64 : i32
    %add3A_589 = arith.addi %mul3A_7, %add3A_588 : i32
    %add3A_590 = arith.constant 0 : i32
    %add3A_591 = arith.addi %add3A_589, %add3A_590 : i32
    %get3A_592 = arith.index_cast %add3A_591 : i32 to index
    %get3A_593 = tpu.vector_load %arg5[%get3A_592] {strides = array<i32>} : memref<1024xi32, #tpu.memory_space<vmem>>, vector<16xi32>,
    %gather3A_594 = tpu.vector_load_idx %arg8[%get3A_593] : memref<64xi32, #tpu.memory_space<vmem>>[vector<16xi32>], vector<16xi32>,
    %swap3A_595 = arith.constant 1 : i32
    %swap3A_596 = arith.index_cast %swap3A_595 : i32 to index
    %swap3A_597 = arith.constant 0 : index
    %swap3A_598 = tpu.vector_load %arg9[%swap3A_596, %swap3A_597] {strides = array<i32>} : memref<8x64xi32, #tpu.memory_space<vmem>>, vector<16xi32>,
    tpu.vector_store %arg9[%swap3A_596, %swap3A_597], %gather3A_594 {strides = array<i32>} : memref<8x64xi32, #tpu.memory_space<vmem>>, vector<16xi32>,
    %add3A_599 = arith.constant 64 : i32
    %add3A_600 = arith.addi %mul3A_7, %add3A_599 : i32
    %add3A_601 = arith.constant 16 : i32
    %add3A_602 = arith.addi %add3A_600, %add3A_601 : i32
    %get3A_603 = arith.index_cast %add3A_602 : i32 to index
    %get3A_604 = tpu.vector_load %arg5[%get3A_603] {strides = array<i32>} : memref<1024xi32, #tpu.memory_space<vmem>>, vector<16xi32>,
    %gather3A_605 = tpu.vector_load_idx %arg8[%get3A_604] : memref<64xi32, #tpu.memory_space<vmem>>[vector<16xi32>], vector<16xi32>,
    %swap3A_606 = arith.constant 1 : i32
    %swap3A_607 = arith.index_cast %swap3A_606 : i32 to index
    %swap3A_608 = arith.constant 16 : index
    %swap3A_609 = tpu.vector_load %arg9[%swap3A_607, %swap3A_608] {strides = array<i32>} : memref<8x64xi32, #tpu.memory_space<vmem>>, vector<16xi32>,
    tpu.vector_store %arg9[%swap3A_607, %swap3A_608], %gather3A_605 {strides = array<i32>} : memref<8x64xi32, #tpu.memory_space<vmem>>, vector<16xi32>,
    %add3A_610 = arith.constant 64 : i32
    %add3A_611 = arith.addi %mul3A_7, %add3A_610 : i32
    %add3A_612 = arith.constant 32 : i32
    %add3A_613 = arith.addi %add3A_611, %add3A_612 : i32
    %get3A_614 = arith.index_cast %add3A_613 : i32 to index
    %get3A_615 = tpu.vector_load %arg5[%get3A_614] {strides = array<i32>} : memref<1024xi32, #tpu.memory_space<vmem>>, vector<16xi32>,
    %gather3A_616 = tpu.vector_load_idx %arg8[%get3A_615] : memref<64xi32, #tpu.memory_space<vmem>>[vector<16xi32>], vector<16xi32>,
    %swap3A_617 = arith.constant 1 : i32
    %swap3A_618 = arith.index_cast %swap3A_617 : i32 to index
    %swap3A_619 = arith.constant 32 : index
    %swap3A_620 = tpu.vector_load %arg9[%swap3A_618, %swap3A_619] {strides = array<i32>} : memref<8x64xi32, #tpu.memory_space<vmem>>, vector<16xi32>,
    tpu.vector_store %arg9[%swap3A_618, %swap3A_619], %gather3A_616 {strides = array<i32>} : memref<8x64xi32, #tpu.memory_space<vmem>>, vector<16xi32>,
    %add3A_621 = arith.constant 64 : i32
    %add3A_622 = arith.addi %mul3A_7, %add3A_621 : i32
    %add3A_623 = arith.constant 48 : i32
    %add3A_624 = arith.addi %add3A_622, %add3A_623 : i32
    %get3A_625 = arith.index_cast %add3A_624 : i32 to index
    %get3A_626 = tpu.vector_load %arg5[%get3A_625] {strides = array<i32>} : memref<1024xi32, #tpu.memory_space<vmem>>, vector<16xi32>,
    %gather3A_627 = tpu.vector_load_idx %arg8[%get3A_626] : memref<64xi32, #tpu.memory_space<vmem>>[vector<16xi32>], vector<16xi32>,
    %swap3A_628 = arith.constant 1 : i32
    %swap3A_629 = arith.index_cast %swap3A_628 : i32 to index
    %swap3A_630 = arith.constant 48 : index
    %swap3A_631 = tpu.vector_load %arg9[%swap3A_629, %swap3A_630] {strides = array<i32>} : memref<8x64xi32, #tpu.memory_space<vmem>>, vector<16xi32>,
    tpu.vector_store %arg9[%swap3A_629, %swap3A_630], %gather3A_627 {strides = array<i32>} : memref<8x64xi32, #tpu.memory_space<vmem>>, vector<16xi32>,
    %dma_start3A_632 = arith.constant 1 : i32
    %dma_start3A_633 = arith.constant 64 : i32
    %dma_start3A_634 = arith.constant 0 : i32
    %dma_start3A_635 = tpu.memref_slice %arg10[%dma_start3A_633, %dma_start3A_634] : memref<512x128xf32, #tpu.memory_space<vmem>> -> memref<64x128xf32, #tpu.memory_space<vmem>>
    %dma_start3A_636 = arith.constant 0 : i32
    %dma_start3A_637 = tpu.memref_slice %arg9[%dma_start3A_632, %dma_start3A_636] : memref<8x64xi32, #tpu.memory_space<vmem>> -> memref<1x64xi32, #tpu.memory_space<vmem>>
    %dma_start3A_638 = tpu.memref_squeeze %dma_start3A_637 : memref<1x64xi32, #tpu.memory_space<vmem>> -> memref<64xi32, #tpu.memory_space<vmem>>
    %dma_start3A_639 = arith.constant 0 : i32
    %dma_start3A_640 = arith.constant 0 : i32
    %dma_start3A_641 = tpu.memref_slice %arg11[%dma_start3A_639, %dma_start3A_640] : memref<64x128xf32, #tpu.memory_space<vmem_shared>> -> memref<64x128xf32, #tpu.memory_space<vmem_shared>>
    tpu.enqueue_indirect_dma source(%dma_start3A_641 : memref<64x128xf32, #tpu.memory_space<vmem_shared>>) target(%dma_start3A_635 : memref<64x128xf32, #tpu.memory_space<vmem>>) offsets(%dma_start3A_638 : memref<64xi32, #tpu.memory_space<vmem>>) semaphore(%arg14 : memref<!tpu.dma_semaphore, #tpu.memory_space<semaphore_mem>>)
    %add3A_642 = arith.constant 128 : i32
    %add3A_643 = arith.addi %mul3A_7, %add3A_642 : i32
    %add3A_644 = arith.constant 0 : i32
    %add3A_645 = arith.addi %add3A_643, %add3A_644 : i32
    %get3A_646 = arith.index_cast %add3A_645 : i32 to index
    %get3A_647 = tpu.vector_load %arg5[%get3A_646] {strides = array<i32>} : memref<1024xi32, #tpu.memory_space<vmem>>, vector<16xi32>,
    %gather3A_648 = tpu.vector_load_idx %arg8[%get3A_647] : memref<64xi32, #tpu.memory_space<vmem>>[vector<16xi32>], vector<16xi32>,
    %swap3A_649 = arith.constant 2 : i32
    %swap3A_650 = arith.index_cast %swap3A_649 : i32 to index
    %swap3A_651 = arith.constant 0 : index
    %swap3A_652 = tpu.vector_load %arg9[%swap3A_650, %swap3A_651] {strides = array<i32>} : memref<8x64xi32, #tpu.memory_space<vmem>>, vector<16xi32>,
    tpu.vector_store %arg9[%swap3A_650, %swap3A_651], %gather3A_648 {strides = array<i32>} : memref<8x64xi32, #tpu.memory_space<vmem>>, vector<16xi32>,
    %add3A_653 = arith.constant 128 : i32
    %add3A_654 = arith.addi %mul3A_7, %add3A_653 : i32
    %add3A_655 = arith.constant 16 : i32
    %add3A_656 = arith.addi %add3A_654, %add3A_655 : i32
    %get3A_657 = arith.index_cast %add3A_656 : i32 to index
    %get3A_658 = tpu.vector_load %arg5[%get3A_657] {strides = array<i32>} : memref<1024xi32, #tpu.memory_space<vmem>>, vector<16xi32>,
    %gather3A_659 = tpu.vector_load_idx %arg8[%get3A_658] : memref<64xi32, #tpu.memory_space<vmem>>[vector<16xi32>], vector<16xi32>,
    %swap3A_660 = arith.constant 2 : i32
    %swap3A_661 = arith.index_cast %swap3A_660 : i32 to index
    %swap3A_662 = arith.constant 16 : index
    %swap3A_663 = tpu.vector_load %arg9[%swap3A_661, %swap3A_662] {strides = array<i32>} : memref<8x64xi32, #tpu.memory_space<vmem>>, vector<16xi32>,
    tpu.vector_store %arg9[%swap3A_661, %swap3A_662], %gather3A_659 {strides = array<i32>} : memref<8x64xi32, #tpu.memory_space<vmem>>, vector<16xi32>,
    %add3A_664 = arith.constant 128 : i32
    %add3A_665 = arith.addi %mul3A_7, %add3A_664 : i32
    %add3A_666 = arith.constant 32 : i32
    %add3A_667 = arith.addi %add3A_665, %add3A_666 : i32
    %get3A_668 = arith.index_cast %add3A_667 : i32 to index
    %get3A_669 = tpu.vector_load %arg5[%get3A_668] {strides = array<i32>} : memref<1024xi32, #tpu.memory_space<vmem>>, vector<16xi32>,
    %gather3A_670 = tpu.vector_load_idx %arg8[%get3A_669] : memref<64xi32, #tpu.memory_space<vmem>>[vector<16xi32>], vector<16xi32>,
    %swap3A_671 = arith.constant 2 : i32
    %swap3A_672 = arith.index_cast %swap3A_671 : i32 to index
    %swap3A_673 = arith.constant 32 : index
    %swap3A_674 = tpu.vector_load %arg9[%swap3A_672, %swap3A_673] {strides = array<i32>} : memref<8x64xi32, #tpu.memory_space<vmem>>, vector<16xi32>,
    tpu.vector_store %arg9[%swap3A_672, %swap3A_673], %gather3A_670 {strides = array<i32>} : memref<8x64xi32, #tpu.memory_space<vmem>>, vector<16xi32>,
    %add3A_675 = arith.constant 128 : i32
    %add3A_676 = arith.addi %mul3A_7, %add3A_675 : i32
    %add3A_677 = arith.constant 48 : i32
    %add3A_678 = arith.addi %add3A_676, %add3A_677 : i32
    %get3A_679 = arith.index_cast %add3A_678 : i32 to index
    %get3A_680 = tpu.vector_load %arg5[%get3A_679] {strides = array<i32>} : memref<1024xi32, #tpu.memory_space<vmem>>, vector<16xi32>,
    %gather3A_681 = tpu.vector_load_idx %arg8[%get3A_680] : memref<64xi32, #tpu.memory_space<vmem>>[vector<16xi32>], vector<16xi32>,
    %swap3A_682 = arith.constant 2 : i32
    %swap3A_683 = arith.index_cast %swap3A_682 : i32 to index
    %swap3A_684 = arith.constant 48 : index
    %swap3A_685 = tpu.vector_load %arg9[%swap3A_683, %swap3A_684] {strides = array<i32>} : memref<8x64xi32, #tpu.memory_space<vmem>>, vector<16xi32>,
    tpu.vector_store %arg9[%swap3A_683, %swap3A_684], %gather3A_681 {strides = array<i32>} : memref<8x64xi32, #tpu.memory_space<vmem>>, vector<16xi32>,
    %dma_start3A_686 = arith.constant 2 : i32
    %dma_start3A_687 = arith.constant 128 : i32
    %dma_start3A_688 = arith.constant 0 : i32
    %dma_start3A_689 = tpu.memref_slice %arg10[%dma_start3A_687, %dma_start3A_688] : memref<512x128xf32, #tpu.memory_space<vmem>> -> memref<64x128xf32, #tpu.memory_space<vmem>>
    %dma_start3A_690 = arith.constant 0 : i32
    %dma_start3A_691 = tpu.memref_slice %arg9[%dma_start3A_686, %dma_start3A_690] : memref<8x64xi32, #tpu.memory_space<vmem>> -> memref<1x64xi32, #tpu.memory_space<vmem>>
    %dma_start3A_692 = tpu.memref_squeeze %dma_start3A_691 : memref<1x64xi32, #tpu.memory_space<vmem>> -> memref<64xi32, #tpu.memory_space<vmem>>
    %dma_start3A_693 = arith.constant 0 : i32
    %dma_start3A_694 = arith.constant 0 : i32
    %dma_start3A_695 = tpu.memref_slice %arg11[%dma_start3A_693, %dma_start3A_694] : memref<64x128xf32, #tpu.memory_space<vmem_shared>> -> memref<64x128xf32, #tpu.memory_space<vmem_shared>>
    tpu.enqueue_indirect_dma source(%dma_start3A_695 : memref<64x128xf32, #tpu.memory_space<vmem_shared>>) target(%dma_start3A_689 : memref<64x128xf32, #tpu.memory_space<vmem>>) offsets(%dma_start3A_692 : memref<64xi32, #tpu.memory_space<vmem>>) semaphore(%arg15 : memref<!tpu.dma_semaphore, #tpu.memory_space<semaphore_mem>>)
    %add3A_696 = arith.constant 192 : i32
    %add3A_697 = arith.addi %mul3A_7, %add3A_696 : i32
    %add3A_698 = arith.constant 0 : i32
    %add3A_699 = arith.addi %add3A_697, %add3A_698 : i32
    %get3A_700 = arith.index_cast %add3A_699 : i32 to index
    %get3A_701 = tpu.vector_load %arg5[%get3A_700] {strides = array<i32>} : memref<1024xi32, #tpu.memory_space<vmem>>, vector<16xi32>,
    %gather3A_702 = tpu.vector_load_idx %arg8[%get3A_701] : memref<64xi32, #tpu.memory_space<vmem>>[vector<16xi32>], vector<16xi32>,
    %swap3A_703 = arith.constant 3 : i32
    %swap3A_704 = arith.index_cast %swap3A_703 : i32 to index
    %swap3A_705 = arith.constant 0 : index
    %swap3A_706 = tpu.vector_load %arg9[%swap3A_704, %swap3A_705] {strides = array<i32>} : memref<8x64xi32, #tpu.memory_space<vmem>>, vector<16xi32>,
    tpu.vector_store %arg9[%swap3A_704, %swap3A_705], %gather3A_702 {strides = array<i32>} : memref<8x64xi32, #tpu.memory_space<vmem>>, vector<16xi32>,
    %add3A_707 = arith.constant 192 : i32
    %add3A_708 = arith.addi %mul3A_7, %add3A_707 : i32
    %add3A_709 = arith.constant 16 : i32
    %add3A_710 = arith.addi %add3A_708, %add3A_709 : i32
    %get3A_711 = arith.index_cast %add3A_710 : i32 to index
    %get3A_712 = tpu.vector_load %arg5[%get3A_711] {strides = array<i32>} : memref<1024xi32, #tpu.memory_space<vmem>>, vector<16xi32>,
    %gather3A_713 = tpu.vector_load_idx %arg8[%get3A_712] : memref<64xi32, #tpu.memory_space<vmem>>[vector<16xi32>], vector<16xi32>,
    %swap3A_714 = arith.constant 3 : i32
    %swap3A_715 = arith.index_cast %swap3A_714 : i32 to index
    %swap3A_716 = arith.constant 16 : index
    %swap3A_717 = tpu.vector_load %arg9[%swap3A_715, %swap3A_716] {strides = array<i32>} : memref<8x64xi32, #tpu.memory_space<vmem>>, vector<16xi32>,
    tpu.vector_store %arg9[%swap3A_715, %swap3A_716], %gather3A_713 {strides = array<i32>} : memref<8x64xi32, #tpu.memory_space<vmem>>, vector<16xi32>,
    %add3A_718 = arith.constant 192 : i32
    %add3A_719 = arith.addi %mul3A_7, %add3A_718 : i32
    %add3A_720 = arith.constant 32 : i32
    %add3A_721 = arith.addi %add3A_719, %add3A_720 : i32
    %get3A_722 = arith.index_cast %add3A_721 : i32 to index
    %get3A_723 = tpu.vector_load %arg5[%get3A_722] {strides = array<i32>} : memref<1024xi32, #tpu.memory_space<vmem>>, vector<16xi32>,
    %gather3A_724 = tpu.vector_load_idx %arg8[%get3A_723] : memref<64xi32, #tpu.memory_space<vmem>>[vector<16xi32>], vector<16xi32>,
    %swap3A_725 = arith.constant 3 : i32
    %swap3A_726 = arith.index_cast %swap3A_725 : i32 to index
    %swap3A_727 = arith.constant 32 : index
    %swap3A_728 = tpu.vector_load %arg9[%swap3A_726, %swap3A_727] {strides = array<i32>} : memref<8x64xi32, #tpu.memory_space<vmem>>, vector<16xi32>,
    tpu.vector_store %arg9[%swap3A_726, %swap3A_727], %gather3A_724 {strides = array<i32>} : memref<8x64xi32, #tpu.memory_space<vmem>>, vector<16xi32>,
    %add3A_729 = arith.constant 192 : i32
    %add3A_730 = arith.addi %mul3A_7, %add3A_729 : i32
    %add3A_731 = arith.constant 48 : i32
    %add3A_732 = arith.addi %add3A_730, %add3A_731 : i32
    %get3A_733 = arith.index_cast %add3A_732 : i32 to index
    %get3A_734 = tpu.vector_load %arg5[%get3A_733] {strides = array<i32>} : memref<1024xi32, #tpu.memory_space<vmem>>, vector<16xi32>,
    %gather3A_735 = tpu.vector_load_idx %arg8[%get3A_734] : memref<64xi32, #tpu.memory_space<vmem>>[vector<16xi32>], vector<16xi32>,
    %swap3A_736 = arith.constant 3 : i32
    %swap3A_737 = arith.index_cast %swap3A_736 : i32 to index
    %swap3A_738 = arith.constant 48 : index
    %swap3A_739 = tpu.vector_load %arg9[%swap3A_737, %swap3A_738] {strides = array<i32>} : memref<8x64xi32, #tpu.memory_space<vmem>>, vector<16xi32>,
    tpu.vector_store %arg9[%swap3A_737, %swap3A_738], %gather3A_735 {strides = array<i32>} : memref<8x64xi32, #tpu.memory_space<vmem>>, vector<16xi32>,
    %dma_start3A_740 = arith.constant 3 : i32
    %dma_start3A_741 = arith.constant 192 : i32
    %dma_start3A_742 = arith.constant 0 : i32
    %dma_start3A_743 = tpu.memref_slice %arg10[%dma_start3A_741, %dma_start3A_742] : memref<512x128xf32, #tpu.memory_space<vmem>> -> memref<64x128xf32, #tpu.memory_space<vmem>>
    %dma_start3A_744 = arith.constant 0 : i32
    %dma_start3A_745 = tpu.memref_slice %arg9[%dma_start3A_740, %dma_start3A_744] : memref<8x64xi32, #tpu.memory_space<vmem>> -> memref<1x64xi32, #tpu.memory_space<vmem>>
    %dma_start3A_746 = tpu.memref_squeeze %dma_start3A_745 : memref<1x64xi32, #tpu.memory_space<vmem>> -> memref<64xi32, #tpu.memory_space<vmem>>
    %dma_start3A_747 = arith.constant 0 : i32
    %dma_start3A_748 = arith.constant 0 : i32
    %dma_start3A_749 = tpu.memref_slice %arg11[%dma_start3A_747, %dma_start3A_748] : memref<64x128xf32, #tpu.memory_space<vmem_shared>> -> memref<64x128xf32, #tpu.memory_space<vmem_shared>>
    tpu.enqueue_indirect_dma source(%dma_start3A_749 : memref<64x128xf32, #tpu.memory_space<vmem_shared>>) target(%dma_start3A_743 : memref<64x128xf32, #tpu.memory_space<vmem>>) offsets(%dma_start3A_746 : memref<64xi32, #tpu.memory_space<vmem>>) semaphore(%arg16 : memref<!tpu.dma_semaphore, #tpu.memory_space<semaphore_mem>>)
    %add3A_750 = arith.constant 256 : i32
    %add3A_751 = arith.addi %mul3A_7, %add3A_750 : i32
    %add3A_752 = arith.constant 0 : i32
    %add3A_753 = arith.addi %add3A_751, %add3A_752 : i32
    %get3A_754 = arith.index_cast %add3A_753 : i32 to index
    %get3A_755 = tpu.vector_load %arg5[%get3A_754] {strides = array<i32>} : memref<1024xi32, #tpu.memory_space<vmem>>, vector<16xi32>,
    %gather3A_756 = tpu.vector_load_idx %arg8[%get3A_755] : memref<64xi32, #tpu.memory_space<vmem>>[vector<16xi32>], vector<16xi32>,
    %swap3A_757 = arith.constant 4 : i32
    %swap3A_758 = arith.index_cast %swap3A_757 : i32 to index
    %swap3A_759 = arith.constant 0 : index
    %swap3A_760 = tpu.vector_load %arg9[%swap3A_758, %swap3A_759] {strides = array<i32>} : memref<8x64xi32, #tpu.memory_space<vmem>>, vector<16xi32>,
    tpu.vector_store %arg9[%swap3A_758, %swap3A_759], %gather3A_756 {strides = array<i32>} : memref<8x64xi32, #tpu.memory_space<vmem>>, vector<16xi32>,
    %add3A_761 = arith.constant 256 : i32
    %add3A_762 = arith.addi %mul3A_7, %add3A_761 : i32
    %add3A_763 = arith.constant 16 : i32
    %add3A_764 = arith.addi %add3A_762, %add3A_763 : i32
    %get3A_765 = arith.index_cast %add3A_764 : i32 to index
    %get3A_766 = tpu.vector_load %arg5[%get3A_765] {strides = array<i32>} : memref<1024xi32, #tpu.memory_space<vmem>>, vector<16xi32>,
    %gather3A_767 = tpu.vector_load_idx %arg8[%get3A_766] : memref<64xi32, #tpu.memory_space<vmem>>[vector<16xi32>], vector<16xi32>,
    %swap3A_768 = arith.constant 4 : i32
    %swap3A_769 = arith.index_cast %swap3A_768 : i32 to index
    %swap3A_770 = arith.constant 16 : index
    %swap3A_771 = tpu.vector_load %arg9[%swap3A_769, %swap3A_770] {strides = array<i32>} : memref<8x64xi32, #tpu.memory_space<vmem>>, vector<16xi32>,
    tpu.vector_store %arg9[%swap3A_769, %swap3A_770], %gather3A_767 {strides = array<i32>} : memref<8x64xi32, #tpu.memory_space<vmem>>, vector<16xi32>,
    %add3A_772 = arith.constant 256 : i32
    %add3A_773 = arith.addi %mul3A_7, %add3A_772 : i32
    %add3A_774 = arith.constant 32 : i32
    %add3A_775 = arith.addi %add3A_773, %add3A_774 : i32
    %get3A_776 = arith.index_cast %add3A_775 : i32 to index
    %get3A_777 = tpu.vector_load %arg5[%get3A_776] {strides = array<i32>} : memref<1024xi32, #tpu.memory_space<vmem>>, vector<16xi32>,
    %gather3A_778 = tpu.vector_load_idx %arg8[%get3A_777] : memref<64xi32, #tpu.memory_space<vmem>>[vector<16xi32>], vector<16xi32>,
    %swap3A_779 = arith.constant 4 : i32
    %swap3A_780 = arith.index_cast %swap3A_779 : i32 to index
    %swap3A_781 = arith.constant 32 : index
    %swap3A_782 = tpu.vector_load %arg9[%swap3A_780, %swap3A_781] {strides = array<i32>} : memref<8x64xi32, #tpu.memory_space<vmem>>, vector<16xi32>,
    tpu.vector_store %arg9[%swap3A_780, %swap3A_781], %gather3A_778 {strides = array<i32>} : memref<8x64xi32, #tpu.memory_space<vmem>>, vector<16xi32>,
    %add3A_783 = arith.constant 256 : i32
    %add3A_784 = arith.addi %mul3A_7, %add3A_783 : i32
    %add3A_785 = arith.constant 48 : i32
    %add3A_786 = arith.addi %add3A_784, %add3A_785 : i32
    %get3A_787 = arith.index_cast %add3A_786 : i32 to index
    %get3A_788 = tpu.vector_load %arg5[%get3A_787] {strides = array<i32>} : memref<1024xi32, #tpu.memory_space<vmem>>, vector<16xi32>,
    %gather3A_789 = tpu.vector_load_idx %arg8[%get3A_788] : memref<64xi32, #tpu.memory_space<vmem>>[vector<16xi32>], vector<16xi32>,
    %swap3A_790 = arith.constant 4 : i32
    %swap3A_791 = arith.index_cast %swap3A_790 : i32 to index
    %swap3A_792 = arith.constant 48 : index
    %swap3A_793 = tpu.vector_load %arg9[%swap3A_791, %swap3A_792] {strides = array<i32>} : memref<8x64xi32, #tpu.memory_space<vmem>>, vector<16xi32>,
    tpu.vector_store %arg9[%swap3A_791, %swap3A_792], %gather3A_789 {strides = array<i32>} : memref<8x64xi32, #tpu.memory_space<vmem>>, vector<16xi32>,
    %dma_start3A_794 = arith.constant 4 : i32
    %dma_start3A_795 = arith.constant 256 : i32
    %dma_start3A_796 = arith.constant 0 : i32
    %dma_start3A_797 = tpu.memref_slice %arg10[%dma_start3A_795, %dma_start3A_796] : memref<512x128xf32, #tpu.memory_space<vmem>> -> memref<64x128xf32, #tpu.memory_space<vmem>>
    %dma_start3A_798 = arith.constant 0 : i32
    %dma_start3A_799 = tpu.memref_slice %arg9[%dma_start3A_794, %dma_start3A_798] : memref<8x64xi32, #tpu.memory_space<vmem>> -> memref<1x64xi32, #tpu.memory_space<vmem>>
    %dma_start3A_800 = tpu.memref_squeeze %dma_start3A_799 : memref<1x64xi32, #tpu.memory_space<vmem>> -> memref<64xi32, #tpu.memory_space<vmem>>
    %dma_start3A_801 = arith.constant 0 : i32
    %dma_start3A_802 = arith.constant 0 : i32
    %dma_start3A_803 = tpu.memref_slice %arg11[%dma_start3A_801, %dma_start3A_802] : memref<64x128xf32, #tpu.memory_space<vmem_shared>> -> memref<64x128xf32, #tpu.memory_space<vmem_shared>>
    tpu.enqueue_indirect_dma source(%dma_start3A_803 : memref<64x128xf32, #tpu.memory_space<vmem_shared>>) target(%dma_start3A_797 : memref<64x128xf32, #tpu.memory_space<vmem>>) offsets(%dma_start3A_800 : memref<64xi32, #tpu.memory_space<vmem>>) semaphore(%arg17 : memref<!tpu.dma_semaphore, #tpu.memory_space<semaphore_mem>>)
    %add3A_804 = arith.constant 320 : i32
    %add3A_805 = arith.addi %mul3A_7, %add3A_804 : i32
    %add3A_806 = arith.constant 0 : i32
    %add3A_807 = arith.addi %add3A_805, %add3A_806 : i32
    %get3A_808 = arith.index_cast %add3A_807 : i32 to index
    %get3A_809 = tpu.vector_load %arg5[%get3A_808] {strides = array<i32>} : memref<1024xi32, #tpu.memory_space<vmem>>, vector<16xi32>,
    %gather3A_810 = tpu.vector_load_idx %arg8[%get3A_809] : memref<64xi32, #tpu.memory_space<vmem>>[vector<16xi32>], vector<16xi32>,
    %swap3A_811 = arith.constant 5 : i32
    %swap3A_812 = arith.index_cast %swap3A_811 : i32 to index
    %swap3A_813 = arith.constant 0 : index
    %swap3A_814 = tpu.vector_load %arg9[%swap3A_812, %swap3A_813] {strides = array<i32>} : memref<8x64xi32, #tpu.memory_space<vmem>>, vector<16xi32>,
    tpu.vector_store %arg9[%swap3A_812, %swap3A_813], %gather3A_810 {strides = array<i32>} : memref<8x64xi32, #tpu.memory_space<vmem>>, vector<16xi32>,
    %add3A_815 = arith.constant 320 : i32
    %add3A_816 = arith.addi %mul3A_7, %add3A_815 : i32
    %add3A_817 = arith.constant 16 : i32
    %add3A_818 = arith.addi %add3A_816, %add3A_817 : i32
    %get3A_819 = arith.index_cast %add3A_818 : i32 to index
    %get3A_820 = tpu.vector_load %arg5[%get3A_819] {strides = array<i32>} : memref<1024xi32, #tpu.memory_space<vmem>>, vector<16xi32>,
    %gather3A_821 = tpu.vector_load_idx %arg8[%get3A_820] : memref<64xi32, #tpu.memory_space<vmem>>[vector<16xi32>], vector<16xi32>,
    %swap3A_822 = arith.constant 5 : i32
    %swap3A_823 = arith.index_cast %swap3A_822 : i32 to index
    %swap3A_824 = arith.constant 16 : index
    %swap3A_825 = tpu.vector_load %arg9[%swap3A_823, %swap3A_824] {strides = array<i32>} : memref<8x64xi32, #tpu.memory_space<vmem>>, vector<16xi32>,
    tpu.vector_store %arg9[%swap3A_823, %swap3A_824], %gather3A_821 {strides = array<i32>} : memref<8x64xi32, #tpu.memory_space<vmem>>, vector<16xi32>,
    %add3A_826 = arith.constant 320 : i32
    %add3A_827 = arith.addi %mul3A_7, %add3A_826 : i32
    %add3A_828 = arith.constant 32 : i32
    %add3A_829 = arith.addi %add3A_827, %add3A_828 : i32
    %get3A_830 = arith.index_cast %add3A_829 : i32 to index
    %get3A_831 = tpu.vector_load %arg5[%get3A_830] {strides = array<i32>} : memref<1024xi32, #tpu.memory_space<vmem>>, vector<16xi32>,
    %gather3A_832 = tpu.vector_load_idx %arg8[%get3A_831] : memref<64xi32, #tpu.memory_space<vmem>>[vector<16xi32>], vector<16xi32>,
    %swap3A_833 = arith.constant 5 : i32
    %swap3A_834 = arith.index_cast %swap3A_833 : i32 to index
    %swap3A_835 = arith.constant 32 : index
    %swap3A_836 = tpu.vector_load %arg9[%swap3A_834, %swap3A_835] {strides = array<i32>} : memref<8x64xi32, #tpu.memory_space<vmem>>, vector<16xi32>,
    tpu.vector_store %arg9[%swap3A_834, %swap3A_835], %gather3A_832 {strides = array<i32>} : memref<8x64xi32, #tpu.memory_space<vmem>>, vector<16xi32>,
    %add3A_837 = arith.constant 320 : i32
    %add3A_838 = arith.addi %mul3A_7, %add3A_837 : i32
    %add3A_839 = arith.constant 48 : i32
    %add3A_840 = arith.addi %add3A_838, %add3A_839 : i32
    %get3A_841 = arith.index_cast %add3A_840 : i32 to index
    %get3A_842 = tpu.vector_load %arg5[%get3A_841] {strides = array<i32>} : memref<1024xi32, #tpu.memory_space<vmem>>, vector<16xi32>,
    %gather3A_843 = tpu.vector_load_idx %arg8[%get3A_842] : memref<64xi32, #tpu.memory_space<vmem>>[vector<16xi32>], vector<16xi32>,
    %swap3A_844 = arith.constant 5 : i32
    %swap3A_845 = arith.index_cast %swap3A_844 : i32 to index
    %swap3A_846 = arith.constant 48 : index
    %swap3A_847 = tpu.vector_load %arg9[%swap3A_845, %swap3A_846] {strides = array<i32>} : memref<8x64xi32, #tpu.memory_space<vmem>>, vector<16xi32>,
    tpu.vector_store %arg9[%swap3A_845, %swap3A_846], %gather3A_843 {strides = array<i32>} : memref<8x64xi32, #tpu.memory_space<vmem>>, vector<16xi32>,
    %dma_start3A_848 = arith.constant 5 : i32
    %dma_start3A_849 = arith.constant 320 : i32
    %dma_start3A_850 = arith.constant 0 : i32
    %dma_start3A_851 = tpu.memref_slice %arg10[%dma_start3A_849, %dma_start3A_850] : memref<512x128xf32, #tpu.memory_space<vmem>> -> memref<64x128xf32, #tpu.memory_space<vmem>>
    %dma_start3A_852 = arith.constant 0 : i32
    %dma_start3A_853 = tpu.memref_slice %arg9[%dma_start3A_848, %dma_start3A_852] : memref<8x64xi32, #tpu.memory_space<vmem>> -> memref<1x64xi32, #tpu.memory_space<vmem>>
    %dma_start3A_854 = tpu.memref_squeeze %dma_start3A_853 : memref<1x64xi32, #tpu.memory_space<vmem>> -> memref<64xi32, #tpu.memory_space<vmem>>
    %dma_start3A_855 = arith.constant 0 : i32
    %dma_start3A_856 = arith.constant 0 : i32
    %dma_start3A_857 = tpu.memref_slice %arg11[%dma_start3A_855, %dma_start3A_856] : memref<64x128xf32, #tpu.memory_space<vmem_shared>> -> memref<64x128xf32, #tpu.memory_space<vmem_shared>>
    tpu.enqueue_indirect_dma source(%dma_start3A_857 : memref<64x128xf32, #tpu.memory_space<vmem_shared>>) target(%dma_start3A_851 : memref<64x128xf32, #tpu.memory_space<vmem>>) offsets(%dma_start3A_854 : memref<64xi32, #tpu.memory_space<vmem>>) semaphore(%arg18 : memref<!tpu.dma_semaphore, #tpu.memory_space<semaphore_mem>>)
    %add3A_858 = arith.constant 384 : i32
    %add3A_859 = arith.addi %mul3A_7, %add3A_858 : i32
    %add3A_860 = arith.constant 0 : i32
    %add3A_861 = arith.addi %add3A_859, %add3A_860 : i32
    %get3A_862 = arith.index_cast %add3A_861 : i32 to index
    %get3A_863 = tpu.vector_load %arg5[%get3A_862] {strides = array<i32>} : memref<1024xi32, #tpu.memory_space<vmem>>, vector<16xi32>,
    %gather3A_864 = tpu.vector_load_idx %arg8[%get3A_863] : memref<64xi32, #tpu.memory_space<vmem>>[vector<16xi32>], vector<16xi32>,
    %swap3A_865 = arith.constant 6 : i32
    %swap3A_866 = arith.index_cast %swap3A_865 : i32 to index
    %swap3A_867 = arith.constant 0 : index
    %swap3A_868 = tpu.vector_load %arg9[%swap3A_866, %swap3A_867] {strides = array<i32>} : memref<8x64xi32, #tpu.memory_space<vmem>>, vector<16xi32>,
    tpu.vector_store %arg9[%swap3A_866, %swap3A_867], %gather3A_864 {strides = array<i32>} : memref<8x64xi32, #tpu.memory_space<vmem>>, vector<16xi32>,
    %add3A_869 = arith.constant 384 : i32
    %add3A_870 = arith.addi %mul3A_7, %add3A_869 : i32
    %add3A_871 = arith.constant 16 : i32
    %add3A_872 = arith.addi %add3A_870, %add3A_871 : i32
    %get3A_873 = arith.index_cast %add3A_872 : i32 to index
    %get3A_874 = tpu.vector_load %arg5[%get3A_873] {strides = array<i32>} : memref<1024xi32, #tpu.memory_space<vmem>>, vector<16xi32>,
    %gather3A_875 = tpu.vector_load_idx %arg8[%get3A_874] : memref<64xi32, #tpu.memory_space<vmem>>[vector<16xi32>], vector<16xi32>,
    %swap3A_876 = arith.constant 6 : i32
    %swap3A_877 = arith.index_cast %swap3A_876 : i32 to index
    %swap3A_878 = arith.constant 16 : index
    %swap3A_879 = tpu.vector_load %arg9[%swap3A_877, %swap3A_878] {strides = array<i32>} : memref<8x64xi32, #tpu.memory_space<vmem>>, vector<16xi32>,
    tpu.vector_store %arg9[%swap3A_877, %swap3A_878], %gather3A_875 {strides = array<i32>} : memref<8x64xi32, #tpu.memory_space<vmem>>, vector<16xi32>,
    %add3A_880 = arith.constant 384 : i32
    %add3A_881 = arith.addi %mul3A_7, %add3A_880 : i32
    %add3A_882 = arith.constant 32 : i32
    %add3A_883 = arith.addi %add3A_881, %add3A_882 : i32
    %get3A_884 = arith.index_cast %add3A_883 : i32 to index
    %get3A_885 = tpu.vector_load %arg5[%get3A_884] {strides = array<i32>} : memref<1024xi32, #tpu.memory_space<vmem>>, vector<16xi32>,
    %gather3A_886 = tpu.vector_load_idx %arg8[%get3A_885] : memref<64xi32, #tpu.memory_space<vmem>>[vector<16xi32>], vector<16xi32>,
    %swap3A_887 = arith.constant 6 : i32
    %swap3A_888 = arith.index_cast %swap3A_887 : i32 to index
    %swap3A_889 = arith.constant 32 : index
    %swap3A_890 = tpu.vector_load %arg9[%swap3A_888, %swap3A_889] {strides = array<i32>} : memref<8x64xi32, #tpu.memory_space<vmem>>, vector<16xi32>,
    tpu.vector_store %arg9[%swap3A_888, %swap3A_889], %gather3A_886 {strides = array<i32>} : memref<8x64xi32, #tpu.memory_space<vmem>>, vector<16xi32>,
    %add3A_891 = arith.constant 384 : i32
    %add3A_892 = arith.addi %mul3A_7, %add3A_891 : i32
    %add3A_893 = arith.constant 48 : i32
    %add3A_894 = arith.addi %add3A_892, %add3A_893 : i32
    %get3A_895 = arith.index_cast %add3A_894 : i32 to index
    %get3A_896 = tpu.vector_load %arg5[%get3A_895] {strides = array<i32>} : memref<1024xi32, #tpu.memory_space<vmem>>, vector<16xi32>,
    %gather3A_897 = tpu.vector_load_idx %arg8[%get3A_896] : memref<64xi32, #tpu.memory_space<vmem>>[vector<16xi32>], vector<16xi32>,
    %swap3A_898 = arith.constant 6 : i32
    %swap3A_899 = arith.index_cast %swap3A_898 : i32 to index
    %swap3A_900 = arith.constant 48 : index
    %swap3A_901 = tpu.vector_load %arg9[%swap3A_899, %swap3A_900] {strides = array<i32>} : memref<8x64xi32, #tpu.memory_space<vmem>>, vector<16xi32>,
    tpu.vector_store %arg9[%swap3A_899, %swap3A_900], %gather3A_897 {strides = array<i32>} : memref<8x64xi32, #tpu.memory_space<vmem>>, vector<16xi32>,
    %dma_start3A_902 = arith.constant 6 : i32
    %dma_start3A_903 = arith.constant 384 : i32
    %dma_start3A_904 = arith.constant 0 : i32
    %dma_start3A_905 = tpu.memref_slice %arg10[%dma_start3A_903, %dma_start3A_904] : memref<512x128xf32, #tpu.memory_space<vmem>> -> memref<64x128xf32, #tpu.memory_space<vmem>>
    %dma_start3A_906 = arith.constant 0 : i32
    %dma_start3A_907 = tpu.memref_slice %arg9[%dma_start3A_902, %dma_start3A_906] : memref<8x64xi32, #tpu.memory_space<vmem>> -> memref<1x64xi32, #tpu.memory_space<vmem>>
    %dma_start3A_908 = tpu.memref_squeeze %dma_start3A_907 : memref<1x64xi32, #tpu.memory_space<vmem>> -> memref<64xi32, #tpu.memory_space<vmem>>
    %dma_start3A_909 = arith.constant 0 : i32
    %dma_start3A_910 = arith.constant 0 : i32
    %dma_start3A_911 = tpu.memref_slice %arg11[%dma_start3A_909, %dma_start3A_910] : memref<64x128xf32, #tpu.memory_space<vmem_shared>> -> memref<64x128xf32, #tpu.memory_space<vmem_shared>>
    tpu.enqueue_indirect_dma source(%dma_start3A_911 : memref<64x128xf32, #tpu.memory_space<vmem_shared>>) target(%dma_start3A_905 : memref<64x128xf32, #tpu.memory_space<vmem>>) offsets(%dma_start3A_908 : memref<64xi32, #tpu.memory_space<vmem>>) semaphore(%arg19 : memref<!tpu.dma_semaphore, #tpu.memory_space<semaphore_mem>>)
    %add3A_912 = arith.constant 448 : i32
    %add3A_913 = arith.addi %mul3A_7, %add3A_912 : i32
    %add3A_914 = arith.constant 0 : i32
    %add3A_915 = arith.addi %add3A_913, %add3A_914 : i32
    %get3A_916 = arith.index_cast %add3A_915 : i32 to index
    %get3A_917 = tpu.vector_load %arg5[%get3A_916] {strides = array<i32>} : memref<1024xi32, #tpu.memory_space<vmem>>, vector<16xi32>,
    %gather3A_918 = tpu.vector_load_idx %arg8[%get3A_917] : memref<64xi32, #tpu.memory_space<vmem>>[vector<16xi32>], vector<16xi32>,
    %swap3A_919 = arith.constant 7 : i32
    %swap3A_920 = arith.index_cast %swap3A_919 : i32 to index
    %swap3A_921 = arith.constant 0 : index
    %swap3A_922 = tpu.vector_load %arg9[%swap3A_920, %swap3A_921] {strides = array<i32>} : memref<8x64xi32, #tpu.memory_space<vmem>>, vector<16xi32>,
    tpu.vector_store %arg9[%swap3A_920, %swap3A_921], %gather3A_918 {strides = array<i32>} : memref<8x64xi32, #tpu.memory_space<vmem>>, vector<16xi32>,
    %add3A_923 = arith.constant 448 : i32
    %add3A_924 = arith.addi %mul3A_7, %add3A_923 : i32
    %add3A_925 = arith.constant 16 : i32
    %add3A_926 = arith.addi %add3A_924, %add3A_925 : i32
    %get3A_927 = arith.index_cast %add3A_926 : i32 to index
    %get3A_928 = tpu.vector_load %arg5[%get3A_927] {strides = array<i32>} : memref<1024xi32, #tpu.memory_space<vmem>>, vector<16xi32>,
    %gather3A_929 = tpu.vector_load_idx %arg8[%get3A_928] : memref<64xi32, #tpu.memory_space<vmem>>[vector<16xi32>], vector<16xi32>,
    %swap3A_930 = arith.constant 7 : i32
    %swap3A_931 = arith.index_cast %swap3A_930 : i32 to index
    %swap3A_932 = arith.constant 16 : index
    %swap3A_933 = tpu.vector_load %arg9[%swap3A_931, %swap3A_932] {strides = array<i32>} : memref<8x64xi32, #tpu.memory_space<vmem>>, vector<16xi32>,
    tpu.vector_store %arg9[%swap3A_931, %swap3A_932], %gather3A_929 {strides = array<i32>} : memref<8x64xi32, #tpu.memory_space<vmem>>, vector<16xi32>,
    %add3A_934 = arith.constant 448 : i32
    %add3A_935 = arith.addi %mul3A_7, %add3A_934 : i32
    %add3A_936 = arith.constant 32 : i32
    %add3A_937 = arith.addi %add3A_935, %add3A_936 : i32
    %get3A_938 = arith.index_cast %add3A_937 : i32 to index
    %get3A_939 = tpu.vector_load %arg5[%get3A_938] {strides = array<i32>} : memref<1024xi32, #tpu.memory_space<vmem>>, vector<16xi32>,
    %gather3A_940 = tpu.vector_load_idx %arg8[%get3A_939] : memref<64xi32, #tpu.memory_space<vmem>>[vector<16xi32>], vector<16xi32>,
    %swap3A_941 = arith.constant 7 : i32
    %swap3A_942 = arith.index_cast %swap3A_941 : i32 to index
    %swap3A_943 = arith.constant 32 : index
    %swap3A_944 = tpu.vector_load %arg9[%swap3A_942, %swap3A_943] {strides = array<i32>} : memref<8x64xi32, #tpu.memory_space<vmem>>, vector<16xi32>,
    tpu.vector_store %arg9[%swap3A_942, %swap3A_943], %gather3A_940 {strides = array<i32>} : memref<8x64xi32, #tpu.memory_space<vmem>>, vector<16xi32>,
    %add3A_945 = arith.constant 448 : i32
    %add3A_946 = arith.addi %mul3A_7, %add3A_945 : i32
    %add3A_947 = arith.constant 48 : i32
    %add3A_948 = arith.addi %add3A_946, %add3A_947 : i32
    %get3A_949 = arith.index_cast %add3A_948 : i32 to index
    %get3A_950 = tpu.vector_load %arg5[%get3A_949] {strides = array<i32>} : memref<1024xi32, #tpu.memory_space<vmem>>, vector<16xi32>,
    %gather3A_951 = tpu.vector_load_idx %arg8[%get3A_950] : memref<64xi32, #tpu.memory_space<vmem>>[vector<16xi32>], vector<16xi32>,
    %swap3A_952 = arith.constant 7 : i32
    %swap3A_953 = arith.index_cast %swap3A_952 : i32 to index
    %swap3A_954 = arith.constant 48 : index
    %swap3A_955 = tpu.vector_load %arg9[%swap3A_953, %swap3A_954] {strides = array<i32>} : memref<8x64xi32, #tpu.memory_space<vmem>>, vector<16xi32>,
    tpu.vector_store %arg9[%swap3A_953, %swap3A_954], %gather3A_951 {strides = array<i32>} : memref<8x64xi32, #tpu.memory_space<vmem>>, vector<16xi32>,
    %dma_start3A_956 = arith.constant 7 : i32
    %dma_start3A_957 = arith.constant 448 : i32
    %dma_start3A_958 = arith.constant 0 : i32
    %dma_start3A_959 = tpu.memref_slice %arg10[%dma_start3A_957, %dma_start3A_958] : memref<512x128xf32, #tpu.memory_space<vmem>> -> memref<64x128xf32, #tpu.memory_space<vmem>>
    %dma_start3A_960 = arith.constant 0 : i32
    %dma_start3A_961 = tpu.memref_slice %arg9[%dma_start3A_956, %dma_start3A_960] : memref<8x64xi32, #tpu.memory_space<vmem>> -> memref<1x64xi32, #tpu.memory_space<vmem>>
    %dma_start3A_962 = tpu.memref_squeeze %dma_start3A_961 : memref<1x64xi32, #tpu.memory_space<vmem>> -> memref<64xi32, #tpu.memory_space<vmem>>
    %dma_start3A_963 = arith.constant 0 : i32
    %dma_start3A_964 = arith.constant 0 : i32
    %dma_start3A_965 = tpu.memref_slice %arg11[%dma_start3A_963, %dma_start3A_964] : memref<64x128xf32, #tpu.memory_space<vmem_shared>> -> memref<64x128xf32, #tpu.memory_space<vmem_shared>>
    tpu.enqueue_indirect_dma source(%dma_start3A_965 : memref<64x128xf32, #tpu.memory_space<vmem_shared>>) target(%dma_start3A_959 : memref<64x128xf32, #tpu.memory_space<vmem>>) offsets(%dma_start3A_962 : memref<64xi32, #tpu.memory_space<vmem>>) semaphore(%arg20 : memref<!tpu.dma_semaphore, #tpu.memory_space<semaphore_mem>>)
    %dma_wait3A_966 = arith.constant 0 : i32
    %dma_wait3A_967 = arith.constant 0 : i32
    %dma_wait3A_968 = arith.constant 0 : i32
    %dma_wait3A_969 = tpu.memref_slice %arg10[%dma_wait3A_967, %dma_wait3A_968] : memref<512x128xf32, #tpu.memory_space<vmem>> -> memref<64x128xf32, #tpu.memory_space<vmem>>
    %dma_wait3A_970 = arith.constant 0 : i32
    %dma_wait3A_971 = tpu.memref_slice %arg9[%dma_wait3A_966, %dma_wait3A_970] : memref<8x64xi32, #tpu.memory_space<vmem>> -> memref<1x64xi32, #tpu.memory_space<vmem>>
    %dma_wait3A_972 = tpu.memref_squeeze %dma_wait3A_971 : memref<1x64xi32, #tpu.memory_space<vmem>> -> memref<64xi32, #tpu.memory_space<vmem>>
    %dma_wait3A_973 = arith.constant 0 : i32
    %dma_wait3A_974 = arith.constant 0 : i32
    %dma_wait3A_975 = tpu.memref_slice %arg11[%dma_wait3A_973, %dma_wait3A_974] : memref<64x128xf32, #tpu.memory_space<vmem_shared>> -> memref<64x128xf32, #tpu.memory_space<vmem_shared>>
    tpu.wait_indirect_dma semaphore(%arg13 : memref<!tpu.dma_semaphore, #tpu.memory_space<semaphore_mem>>) src(%dma_wait3A_975 : memref<64x128xf32, #tpu.memory_space<vmem_shared>>) dst(%dma_wait3A_969 : memref<64x128xf32, #tpu.memory_space<vmem>>)
    %add3A_976 = arith.constant 0 : i32
    %add3A_977 = arith.addi %mul3A_2, %add3A_976 : i32
    %dma_start3A_978 = arith.constant 0 : i32
    %dma_start3A_979 = arith.constant 0 : i32
    %dma_start3A_980 = tpu.memref_slice %arg10[%dma_start3A_978, %dma_start3A_979] : memref<512x128xf32, #tpu.memory_space<vmem>> -> memref<64x128xf32, #tpu.memory_space<vmem>>
    %dma_start3A_981 = arith.constant 0 : i32
    %dma_start3A_982 = tpu.memref_slice %arg4[%add3A_977, %dma_start3A_981] : memref<16384x128xf32, #tpu.memory_space<hbm>> -> memref<64x128xf32, #tpu.memory_space<hbm>>
    %dma_start3A_983 = arith.constant 0 : i32
    %dma_start3A_984 = tpu.memref_slice %arg4[%add3A_977, %dma_start3A_983] : memref<16384x128xf32, #tpu.memory_space<hbm>> -> memref<64x128xf32, #tpu.memory_space<hbm>>
    %dma_start3A_985 = arith.constant 0 : i32
    %dma_start3A_986 = arith.constant 0 : i32
    %dma_start3A_987 = tpu.memref_slice %arg10[%dma_start3A_985, %dma_start3A_986] : memref<512x128xf32, #tpu.memory_space<vmem>> -> memref<64x128xf32, #tpu.memory_space<vmem>>
    tpu.enqueue_dma source(%dma_start3A_987 : memref<64x128xf32, #tpu.memory_space<vmem>>) target(%dma_start3A_984 : memref<64x128xf32, #tpu.memory_space<hbm>>) target_semaphore(%arg21 : memref<!tpu.dma_semaphore, #tpu.memory_space<semaphore_mem>>)
    %dma_wait3A_988 = arith.constant 1 : i32
    %dma_wait3A_989 = arith.constant 64 : i32
    %dma_wait3A_990 = arith.constant 0 : i32
    %dma_wait3A_991 = tpu.memref_slice %arg10[%dma_wait3A_989, %dma_wait3A_990] : memref<512x128xf32, #tpu.memory_space<vmem>> -> memref<64x128xf32, #tpu.memory_space<vmem>>
    %dma_wait3A_992 = arith.constant 0 : i32
    %dma_wait3A_993 = tpu.memref_slice %arg9[%dma_wait3A_988, %dma_wait3A_992] : memref<8x64xi32, #tpu.memory_space<vmem>> -> memref<1x64xi32, #tpu.memory_space<vmem>>
    %dma_wait3A_994 = tpu.memref_squeeze %dma_wait3A_993 : memref<1x64xi32, #tpu.memory_space<vmem>> -> memref<64xi32, #tpu.memory_space<vmem>>
    %dma_wait3A_995 = arith.constant 0 : i32
    %dma_wait3A_996 = arith.constant 0 : i32
    %dma_wait3A_997 = tpu.memref_slice %arg11[%dma_wait3A_995, %dma_wait3A_996] : memref<64x128xf32, #tpu.memory_space<vmem_shared>> -> memref<64x128xf32, #tpu.memory_space<vmem_shared>>
    tpu.wait_indirect_dma semaphore(%arg14 : memref<!tpu.dma_semaphore, #tpu.memory_space<semaphore_mem>>) src(%dma_wait3A_997 : memref<64x128xf32, #tpu.memory_space<vmem_shared>>) dst(%dma_wait3A_991 : memref<64x128xf32, #tpu.memory_space<vmem>>)
    %add3A_998 = arith.constant 64 : i32
    %add3A_999 = arith.addi %mul3A_2, %add3A_998 : i32
    %dma_start3A_1000 = arith.constant 64 : i32
    %dma_start3A_1001 = arith.constant 0 : i32
    %dma_start3A_1002 = tpu.memref_slice %arg10[%dma_start3A_1000, %dma_start3A_1001] : memref<512x128xf32, #tpu.memory_space<vmem>> -> memref<64x128xf32, #tpu.memory_space<vmem>>
    %dma_start3A_1003 = arith.constant 0 : i32
    %dma_start3A_1004 = tpu.memref_slice %arg4[%add3A_999, %dma_start3A_1003] : memref<16384x128xf32, #tpu.memory_space<hbm>> -> memref<64x128xf32, #tpu.memory_space<hbm>>
    %dma_start3A_1005 = arith.constant 0 : i32
    %dma_start3A_1006 = tpu.memref_slice %arg4[%add3A_999, %dma_start3A_1005] : memref<16384x128xf32, #tpu.memory_space<hbm>> -> memref<64x128xf32, #tpu.memory_space<hbm>>
    %dma_start3A_1007 = arith.constant 64 : i32
    %dma_start3A_1008 = arith.constant 0 : i32
    %dma_start3A_1009 = tpu.memref_slice %arg10[%dma_start3A_1007, %dma_start3A_1008] : memref<512x128xf32, #tpu.memory_space<vmem>> -> memref<64x128xf32, #tpu.memory_space<vmem>>
    tpu.enqueue_dma source(%dma_start3A_1009 : memref<64x128xf32, #tpu.memory_space<vmem>>) target(%dma_start3A_1006 : memref<64x128xf32, #tpu.memory_space<hbm>>) target_semaphore(%arg21 : memref<!tpu.dma_semaphore, #tpu.memory_space<semaphore_mem>>)
    %dma_wait3A_1010 = arith.constant 2 : i32
    %dma_wait3A_1011 = arith.constant 128 : i32
    %dma_wait3A_1012 = arith.constant 0 : i32
    %dma_wait3A_1013 = tpu.memref_slice %arg10[%dma_wait3A_1011, %dma_wait3A_1012] : memref<512x128xf32, #tpu.memory_space<vmem>> -> memref<64x128xf32, #tpu.memory_space<vmem>>
    %dma_wait3A_1014 = arith.constant 0 : i32
    %dma_wait3A_1015 = tpu.memref_slice %arg9[%dma_wait3A_1010, %dma_wait3A_1014] : memref<8x64xi32, #tpu.memory_space<vmem>> -> memref<1x64xi32, #tpu.memory_space<vmem>>
    %dma_wait3A_1016 = tpu.memref_squeeze %dma_wait3A_1015 : memref<1x64xi32, #tpu.memory_space<vmem>> -> memref<64xi32, #tpu.memory_space<vmem>>
    %dma_wait3A_1017 = arith.constant 0 : i32
    %dma_wait3A_1018 = arith.constant 0 : i32
    %dma_wait3A_1019 = tpu.memref_slice %arg11[%dma_wait3A_1017, %dma_wait3A_1018] : memref<64x128xf32, #tpu.memory_space<vmem_shared>> -> memref<64x128xf32, #tpu.memory_space<vmem_shared>>
    tpu.wait_indirect_dma semaphore(%arg15 : memref<!tpu.dma_semaphore, #tpu.memory_space<semaphore_mem>>) src(%dma_wait3A_1019 : memref<64x128xf32, #tpu.memory_space<vmem_shared>>) dst(%dma_wait3A_1013 : memref<64x128xf32, #tpu.memory_space<vmem>>)
    %add3A_1020 = arith.constant 128 : i32
    %add3A_1021 = arith.addi %mul3A_2, %add3A_1020 : i32
    %dma_start3A_1022 = arith.constant 128 : i32
    %dma_start3A_1023 = arith.constant 0 : i32
    %dma_start3A_1024 = tpu.memref_slice %arg10[%dma_start3A_1022, %dma_start3A_1023] : memref<512x128xf32, #tpu.memory_space<vmem>> -> memref<64x128xf32, #tpu.memory_space<vmem>>
    %dma_start3A_1025 = arith.constant 0 : i32
    %dma_start3A_1026 = tpu.memref_slice %arg4[%add3A_1021, %dma_start3A_1025] : memref<16384x128xf32, #tpu.memory_space<hbm>> -> memref<64x128xf32, #tpu.memory_space<hbm>>
    %dma_start3A_1027 = arith.constant 0 : i32
    %dma_start3A_1028 = tpu.memref_slice %arg4[%add3A_1021, %dma_start3A_1027] : memref<16384x128xf32, #tpu.memory_space<hbm>> -> memref<64x128xf32, #tpu.memory_space<hbm>>
    %dma_start3A_1029 = arith.constant 128 : i32
    %dma_start3A_1030 = arith.constant 0 : i32
    %dma_start3A_1031 = tpu.memref_slice %arg10[%dma_start3A_1029, %dma_start3A_1030] : memref<512x128xf32, #tpu.memory_space<vmem>> -> memref<64x128xf32, #tpu.memory_space<vmem>>
    tpu.enqueue_dma source(%dma_start3A_1031 : memref<64x128xf32, #tpu.memory_space<vmem>>) target(%dma_start3A_1028 : memref<64x128xf32, #tpu.memory_space<hbm>>) target_semaphore(%arg21 : memref<!tpu.dma_semaphore, #tpu.memory_space<semaphore_mem>>)
    %dma_wait3A_1032 = arith.constant 3 : i32
    %dma_wait3A_1033 = arith.constant 192 : i32
    %dma_wait3A_1034 = arith.constant 0 : i32
    %dma_wait3A_1035 = tpu.memref_slice %arg10[%dma_wait3A_1033, %dma_wait3A_1034] : memref<512x128xf32, #tpu.memory_space<vmem>> -> memref<64x128xf32, #tpu.memory_space<vmem>>
    %dma_wait3A_1036 = arith.constant 0 : i32
    %dma_wait3A_1037 = tpu.memref_slice %arg9[%dma_wait3A_1032, %dma_wait3A_1036] : memref<8x64xi32, #tpu.memory_space<vmem>> -> memref<1x64xi32, #tpu.memory_space<vmem>>
    %dma_wait3A_1038 = tpu.memref_squeeze %dma_wait3A_1037 : memref<1x64xi32, #tpu.memory_space<vmem>> -> memref<64xi32, #tpu.memory_space<vmem>>
    %dma_wait3A_1039 = arith.constant 0 : i32
    %dma_wait3A_1040 = arith.constant 0 : i32
    %dma_wait3A_1041 = tpu.memref_slice %arg11[%dma_wait3A_1039, %dma_wait3A_1040] : memref<64x128xf32, #tpu.memory_space<vmem_shared>> -> memref<64x128xf32, #tpu.memory_space<vmem_shared>>
    tpu.wait_indirect_dma semaphore(%arg16 : memref<!tpu.dma_semaphore, #tpu.memory_space<semaphore_mem>>) src(%dma_wait3A_1041 : memref<64x128xf32, #tpu.memory_space<vmem_shared>>) dst(%dma_wait3A_1035 : memref<64x128xf32, #tpu.memory_space<vmem>>)
    %add3A_1042 = arith.constant 192 : i32
    %add3A_1043 = arith.addi %mul3A_2, %add3A_1042 : i32
    %dma_start3A_1044 = arith.constant 192 : i32
    %dma_start3A_1045 = arith.constant 0 : i32
    %dma_start3A_1046 = tpu.memref_slice %arg10[%dma_start3A_1044, %dma_start3A_1045] : memref<512x128xf32, #tpu.memory_space<vmem>> -> memref<64x128xf32, #tpu.memory_space<vmem>>
    %dma_start3A_1047 = arith.constant 0 : i32
    %dma_start3A_1048 = tpu.memref_slice %arg4[%add3A_1043, %dma_start3A_1047] : memref<16384x128xf32, #tpu.memory_space<hbm>> -> memref<64x128xf32, #tpu.memory_space<hbm>>
    %dma_start3A_1049 = arith.constant 0 : i32
    %dma_start3A_1050 = tpu.memref_slice %arg4[%add3A_1043, %dma_start3A_1049] : memref<16384x128xf32, #tpu.memory_space<hbm>> -> memref<64x128xf32, #tpu.memory_space<hbm>>
    %dma_start3A_1051 = arith.constant 192 : i32
    %dma_start3A_1052 = arith.constant 0 : i32
    %dma_start3A_1053 = tpu.memref_slice %arg10[%dma_start3A_1051, %dma_start3A_1052] : memref<512x128xf32, #tpu.memory_space<vmem>> -> memref<64x128xf32, #tpu.memory_space<vmem>>
    tpu.enqueue_dma source(%dma_start3A_1053 : memref<64x128xf32, #tpu.memory_space<vmem>>) target(%dma_start3A_1050 : memref<64x128xf32, #tpu.memory_space<hbm>>) target_semaphore(%arg21 : memref<!tpu.dma_semaphore, #tpu.memory_space<semaphore_mem>>)
    %dma_wait3A_1054 = arith.constant 4 : i32
    %dma_wait3A_1055 = arith.constant 256 : i32
    %dma_wait3A_1056 = arith.constant 0 : i32
    %dma_wait3A_1057 = tpu.memref_slice %arg10[%dma_wait3A_1055, %dma_wait3A_1056] : memref<512x128xf32, #tpu.memory_space<vmem>> -> memref<64x128xf32, #tpu.memory_space<vmem>>
    %dma_wait3A_1058 = arith.constant 0 : i32
    %dma_wait3A_1059 = tpu.memref_slice %arg9[%dma_wait3A_1054, %dma_wait3A_1058] : memref<8x64xi32, #tpu.memory_space<vmem>> -> memref<1x64xi32, #tpu.memory_space<vmem>>
    %dma_wait3A_1060 = tpu.memref_squeeze %dma_wait3A_1059 : memref<1x64xi32, #tpu.memory_space<vmem>> -> memref<64xi32, #tpu.memory_space<vmem>>
    %dma_wait3A_1061 = arith.constant 0 : i32
    %dma_wait3A_1062 = arith.constant 0 : i32
    %dma_wait3A_1063 = tpu.memref_slice %arg11[%dma_wait3A_1061, %dma_wait3A_1062] : memref<64x128xf32, #tpu.memory_space<vmem_shared>> -> memref<64x128xf32, #tpu.memory_space<vmem_shared>>
    tpu.wait_indirect_dma semaphore(%arg17 : memref<!tpu.dma_semaphore, #tpu.memory_space<semaphore_mem>>) src(%dma_wait3A_1063 : memref<64x128xf32, #tpu.memory_space<vmem_shared>>) dst(%dma_wait3A_1057 : memref<64x128xf32, #tpu.memory_space<vmem>>)
    %add3A_1064 = arith.constant 256 : i32
    %add3A_1065 = arith.addi %mul3A_2, %add3A_1064 : i32
    %dma_start3A_1066 = arith.constant 256 : i32
    %dma_start3A_1067 = arith.constant 0 : i32
    %dma_start3A_1068 = tpu.memref_slice %arg10[%dma_start3A_1066, %dma_start3A_1067] : memref<512x128xf32, #tpu.memory_space<vmem>> -> memref<64x128xf32, #tpu.memory_space<vmem>>
    %dma_start3A_1069 = arith.constant 0 : i32
    %dma_start3A_1070 = tpu.memref_slice %arg4[%add3A_1065, %dma_start3A_1069] : memref<16384x128xf32, #tpu.memory_space<hbm>> -> memref<64x128xf32, #tpu.memory_space<hbm>>
    %dma_start3A_1071 = arith.constant 0 : i32
    %dma_start3A_1072 = tpu.memref_slice %arg4[%add3A_1065, %dma_start3A_1071] : memref<16384x128xf32, #tpu.memory_space<hbm>> -> memref<64x128xf32, #tpu.memory_space<hbm>>
    %dma_start3A_1073 = arith.constant 256 : i32
    %dma_start3A_1074 = arith.constant 0 : i32
    %dma_start3A_1075 = tpu.memref_slice %arg10[%dma_start3A_1073, %dma_start3A_1074] : memref<512x128xf32, #tpu.memory_space<vmem>> -> memref<64x128xf32, #tpu.memory_space<vmem>>
    tpu.enqueue_dma source(%dma_start3A_1075 : memref<64x128xf32, #tpu.memory_space<vmem>>) target(%dma_start3A_1072 : memref<64x128xf32, #tpu.memory_space<hbm>>) target_semaphore(%arg21 : memref<!tpu.dma_semaphore, #tpu.memory_space<semaphore_mem>>)
    %dma_wait3A_1076 = arith.constant 5 : i32
    %dma_wait3A_1077 = arith.constant 320 : i32
    %dma_wait3A_1078 = arith.constant 0 : i32
    %dma_wait3A_1079 = tpu.memref_slice %arg10[%dma_wait3A_1077, %dma_wait3A_1078] : memref<512x128xf32, #tpu.memory_space<vmem>> -> memref<64x128xf32, #tpu.memory_space<vmem>>
    %dma_wait3A_1080 = arith.constant 0 : i32
    %dma_wait3A_1081 = tpu.memref_slice %arg9[%dma_wait3A_1076, %dma_wait3A_1080] : memref<8x64xi32, #tpu.memory_space<vmem>> -> memref<1x64xi32, #tpu.memory_space<vmem>>
    %dma_wait3A_1082 = tpu.memref_squeeze %dma_wait3A_1081 : memref<1x64xi32, #tpu.memory_space<vmem>> -> memref<64xi32, #tpu.memory_space<vmem>>
    %dma_wait3A_1083 = arith.constant 0 : i32
    %dma_wait3A_1084 = arith.constant 0 : i32
    %dma_wait3A_1085 = tpu.memref_slice %arg11[%dma_wait3A_1083, %dma_wait3A_1084] : memref<64x128xf32, #tpu.memory_space<vmem_shared>> -> memref<64x128xf32, #tpu.memory_space<vmem_shared>>
    tpu.wait_indirect_dma semaphore(%arg18 : memref<!tpu.dma_semaphore, #tpu.memory_space<semaphore_mem>>) src(%dma_wait3A_1085 : memref<64x128xf32, #tpu.memory_space<vmem_shared>>) dst(%dma_wait3A_1079 : memref<64x128xf32, #tpu.memory_space<vmem>>)
    %add3A_1086 = arith.constant 320 : i32
    %add3A_1087 = arith.addi %mul3A_2, %add3A_1086 : i32
    %dma_start3A_1088 = arith.constant 320 : i32
    %dma_start3A_1089 = arith.constant 0 : i32
    %dma_start3A_1090 = tpu.memref_slice %arg10[%dma_start3A_1088, %dma_start3A_1089] : memref<512x128xf32, #tpu.memory_space<vmem>> -> memref<64x128xf32, #tpu.memory_space<vmem>>
    %dma_start3A_1091 = arith.constant 0 : i32
    %dma_start3A_1092 = tpu.memref_slice %arg4[%add3A_1087, %dma_start3A_1091] : memref<16384x128xf32, #tpu.memory_space<hbm>> -> memref<64x128xf32, #tpu.memory_space<hbm>>
    %dma_start3A_1093 = arith.constant 0 : i32
    %dma_start3A_1094 = tpu.memref_slice %arg4[%add3A_1087, %dma_start3A_1093] : memref<16384x128xf32, #tpu.memory_space<hbm>> -> memref<64x128xf32, #tpu.memory_space<hbm>>
    %dma_start3A_1095 = arith.constant 320 : i32
    %dma_start3A_1096 = arith.constant 0 : i32
    %dma_start3A_1097 = tpu.memref_slice %arg10[%dma_start3A_1095, %dma_start3A_1096] : memref<512x128xf32, #tpu.memory_space<vmem>> -> memref<64x128xf32, #tpu.memory_space<vmem>>
    tpu.enqueue_dma source(%dma_start3A_1097 : memref<64x128xf32, #tpu.memory_space<vmem>>) target(%dma_start3A_1094 : memref<64x128xf32, #tpu.memory_space<hbm>>) target_semaphore(%arg21 : memref<!tpu.dma_semaphore, #tpu.memory_space<semaphore_mem>>)
    %dma_wait3A_1098 = arith.constant 6 : i32
    %dma_wait3A_1099 = arith.constant 384 : i32
    %dma_wait3A_1100 = arith.constant 0 : i32
    %dma_wait3A_1101 = tpu.memref_slice %arg10[%dma_wait3A_1099, %dma_wait3A_1100] : memref<512x128xf32, #tpu.memory_space<vmem>> -> memref<64x128xf32, #tpu.memory_space<vmem>>
    %dma_wait3A_1102 = arith.constant 0 : i32
    %dma_wait3A_1103 = tpu.memref_slice %arg9[%dma_wait3A_1098, %dma_wait3A_1102] : memref<8x64xi32, #tpu.memory_space<vmem>> -> memref<1x64xi32, #tpu.memory_space<vmem>>
    %dma_wait3A_1104 = tpu.memref_squeeze %dma_wait3A_1103 : memref<1x64xi32, #tpu.memory_space<vmem>> -> memref<64xi32, #tpu.memory_space<vmem>>
    %dma_wait3A_1105 = arith.constant 0 : i32
    %dma_wait3A_1106 = arith.constant 0 : i32
    %dma_wait3A_1107 = tpu.memref_slice %arg11[%dma_wait3A_1105, %dma_wait3A_1106] : memref<64x128xf32, #tpu.memory_space<vmem_shared>> -> memref<64x128xf32, #tpu.memory_space<vmem_shared>>
    tpu.wait_indirect_dma semaphore(%arg19 : memref<!tpu.dma_semaphore, #tpu.memory_space<semaphore_mem>>) src(%dma_wait3A_1107 : memref<64x128xf32, #tpu.memory_space<vmem_shared>>) dst(%dma_wait3A_1101 : memref<64x128xf32, #tpu.memory_space<vmem>>)
    %add3A_1108 = arith.constant 384 : i32
    %add3A_1109 = arith.addi %mul3A_2, %add3A_1108 : i32
    %dma_start3A_1110 = arith.constant 384 : i32
    %dma_start3A_1111 = arith.constant 0 : i32
    %dma_start3A_1112 = tpu.memref_slice %arg10[%dma_start3A_1110, %dma_start3A_1111] : memref<512x128xf32, #tpu.memory_space<vmem>> -> memref<64x128xf32, #tpu.memory_space<vmem>>
    %dma_start3A_1113 = arith.constant 0 : i32
    %dma_start3A_1114 = tpu.memref_slice %arg4[%add3A_1109, %dma_start3A_1113] : memref<16384x128xf32, #tpu.memory_space<hbm>> -> memref<64x128xf32, #tpu.memory_space<hbm>>
    %dma_start3A_1115 = arith.constant 0 : i32
    %dma_start3A_1116 = tpu.memref_slice %arg4[%add3A_1109, %dma_start3A_1115] : memref<16384x128xf32, #tpu.memory_space<hbm>> -> memref<64x128xf32, #tpu.memory_space<hbm>>
    %dma_start3A_1117 = arith.constant 384 : i32
    %dma_start3A_1118 = arith.constant 0 : i32
    %dma_start3A_1119 = tpu.memref_slice %arg10[%dma_start3A_1117, %dma_start3A_1118] : memref<512x128xf32, #tpu.memory_space<vmem>> -> memref<64x128xf32, #tpu.memory_space<vmem>>
    tpu.enqueue_dma source(%dma_start3A_1119 : memref<64x128xf32, #tpu.memory_space<vmem>>) target(%dma_start3A_1116 : memref<64x128xf32, #tpu.memory_space<hbm>>) target_semaphore(%arg21 : memref<!tpu.dma_semaphore, #tpu.memory_space<semaphore_mem>>)
    %dma_wait3A_1120 = arith.constant 7 : i32
    %dma_wait3A_1121 = arith.constant 448 : i32
    %dma_wait3A_1122 = arith.constant 0 : i32
    %dma_wait3A_1123 = tpu.memref_slice %arg10[%dma_wait3A_1121, %dma_wait3A_1122] : memref<512x128xf32, #tpu.memory_space<vmem>> -> memref<64x128xf32, #tpu.memory_space<vmem>>
    %dma_wait3A_1124 = arith.constant 0 : i32
    %dma_wait3A_1125 = tpu.memref_slice %arg9[%dma_wait3A_1120, %dma_wait3A_1124] : memref<8x64xi32, #tpu.memory_space<vmem>> -> memref<1x64xi32, #tpu.memory_space<vmem>>
    %dma_wait3A_1126 = tpu.memref_squeeze %dma_wait3A_1125 : memref<1x64xi32, #tpu.memory_space<vmem>> -> memref<64xi32, #tpu.memory_space<vmem>>
    %dma_wait3A_1127 = arith.constant 0 : i32
    %dma_wait3A_1128 = arith.constant 0 : i32
    %dma_wait3A_1129 = tpu.memref_slice %arg11[%dma_wait3A_1127, %dma_wait3A_1128] : memref<64x128xf32, #tpu.memory_space<vmem_shared>> -> memref<64x128xf32, #tpu.memory_space<vmem_shared>>
    tpu.wait_indirect_dma semaphore(%arg20 : memref<!tpu.dma_semaphore, #tpu.memory_space<semaphore_mem>>) src(%dma_wait3A_1129 : memref<64x128xf32, #tpu.memory_space<vmem_shared>>) dst(%dma_wait3A_1123 : memref<64x128xf32, #tpu.memory_space<vmem>>)
    %add3A_1130 = arith.constant 448 : i32
    %add3A_1131 = arith.addi %mul3A_2, %add3A_1130 : i32
    %dma_start3A_1132 = arith.constant 448 : i32
    %dma_start3A_1133 = arith.constant 0 : i32
    %dma_start3A_1134 = tpu.memref_slice %arg10[%dma_start3A_1132, %dma_start3A_1133] : memref<512x128xf32, #tpu.memory_space<vmem>> -> memref<64x128xf32, #tpu.memory_space<vmem>>
    %dma_start3A_1135 = arith.constant 0 : i32
    %dma_start3A_1136 = tpu.memref_slice %arg4[%add3A_1131, %dma_start3A_1135] : memref<16384x128xf32, #tpu.memory_space<hbm>> -> memref<64x128xf32, #tpu.memory_space<hbm>>
    %dma_start3A_1137 = arith.constant 0 : i32
    %dma_start3A_1138 = tpu.memref_slice %arg4[%add3A_1131, %dma_start3A_1137] : memref<16384x128xf32, #tpu.memory_space<hbm>> -> memref<64x128xf32, #tpu.memory_space<hbm>>
    %dma_start3A_1139 = arith.constant 448 : i32
    %dma_start3A_1140 = arith.constant 0 : i32
    %dma_start3A_1141 = tpu.memref_slice %arg10[%dma_start3A_1139, %dma_start3A_1140] : memref<512x128xf32, #tpu.memory_space<vmem>> -> memref<64x128xf32, #tpu.memory_space<vmem>>
    tpu.enqueue_dma source(%dma_start3A_1141 : memref<64x128xf32, #tpu.memory_space<vmem>>) target(%dma_start3A_1138 : memref<64x128xf32, #tpu.memory_space<hbm>>) target_semaphore(%arg21 : memref<!tpu.dma_semaphore, #tpu.memory_space<semaphore_mem>>)
    %dma_wait3A_1142 = arith.constant 0 : i32
    %dma_wait3A_1143 = arith.constant 0 : i32
    %dma_wait3A_1144 = tpu.memref_slice %arg10[%dma_wait3A_1142, %dma_wait3A_1143] : memref<512x128xf32, #tpu.memory_space<vmem>> -> memref<64x128xf32, #tpu.memory_space<vmem>>
    %dma_wait3A_1145 = arith.constant 0 : i32
    %dma_wait3A_1146 = tpu.memref_slice %arg4[%add3A_977, %dma_wait3A_1145] : memref<16384x128xf32, #tpu.memory_space<hbm>> -> memref<64x128xf32, #tpu.memory_space<hbm>>
    %dma_wait3A_1147 = arith.constant 0 : i32
    %dma_wait3A_1148 = tpu.memref_slice %arg4[%add3A_977, %dma_wait3A_1147] : memref<16384x128xf32, #tpu.memory_space<hbm>> -> memref<64x128xf32, #tpu.memory_space<hbm>>
    %dma_wait3A_1149 = arith.constant 0 : i32
    %dma_wait3A_1150 = arith.constant 0 : i32
    %dma_wait3A_1151 = tpu.memref_slice %arg10[%dma_wait3A_1149, %dma_wait3A_1150] : memref<512x128xf32, #tpu.memory_space<vmem>> -> memref<64x128xf32, #tpu.memory_space<vmem>>
    tpu.wait_dma2 semaphore(%arg21 : memref<!tpu.dma_semaphore, #tpu.memory_space<semaphore_mem>>) src(%dma_wait3A_1151 : memref<64x128xf32, #tpu.memory_space<vmem>>) dst(%dma_wait3A_1148 : memref<64x128xf32, #tpu.memory_space<hbm>>)
    %dma_wait3A_1152 = arith.constant 64 : i32
    %dma_wait3A_1153 = arith.constant 0 : i32
    %dma_wait3A_1154 = tpu.memref_slice %arg10[%dma_wait3A_1152, %dma_wait3A_1153] : memref<512x128xf32, #tpu.memory_space<vmem>> -> memref<64x128xf32, #tpu.memory_space<vmem>>
    %dma_wait3A_1155 = arith.constant 0 : i32
    %dma_wait3A_1156 = tpu.memref_slice %arg4[%add3A_999, %dma_wait3A_1155] : memref<16384x128xf32, #tpu.memory_space<hbm>> -> memref<64x128xf32, #tpu.memory_space<hbm>>
    %dma_wait3A_1157 = arith.constant 0 : i32
    %dma_wait3A_1158 = tpu.memref_slice %arg4[%add3A_999, %dma_wait3A_1157] : memref<16384x128xf32, #tpu.memory_space<hbm>> -> memref<64x128xf32, #tpu.memory_space<hbm>>
    %dma_wait3A_1159 = arith.constant 64 : i32
    %dma_wait3A_1160 = arith.constant 0 : i32
    %dma_wait3A_1161 = tpu.memref_slice %arg10[%dma_wait3A_1159, %dma_wait3A_1160] : memref<512x128xf32, #tpu.memory_space<vmem>> -> memref<64x128xf32, #tpu.memory_space<vmem>>
    tpu.wait_dma2 semaphore(%arg21 : memref<!tpu.dma_semaphore, #tpu.memory_space<semaphore_mem>>) src(%dma_wait3A_1161 : memref<64x128xf32, #tpu.memory_space<vmem>>) dst(%dma_wait3A_1158 : memref<64x128xf32, #tpu.memory_space<hbm>>)
    %dma_wait3A_1162 = arith.constant 128 : i32
    %dma_wait3A_1163 = arith.constant 0 : i32
    %dma_wait3A_1164 = tpu.memref_slice %arg10[%dma_wait3A_1162, %dma_wait3A_1163] : memref<512x128xf32, #tpu.memory_space<vmem>> -> memref<64x128xf32, #tpu.memory_space<vmem>>
    %dma_wait3A_1165 = arith.constant 0 : i32
    %dma_wait3A_1166 = tpu.memref_slice %arg4[%add3A_1021, %dma_wait3A_1165] : memref<16384x128xf32, #tpu.memory_space<hbm>> -> memref<64x128xf32, #tpu.memory_space<hbm>>
    %dma_wait3A_1167 = arith.constant 0 : i32
    %dma_wait3A_1168 = tpu.memref_slice %arg4[%add3A_1021, %dma_wait3A_1167] : memref<16384x128xf32, #tpu.memory_space<hbm>> -> memref<64x128xf32, #tpu.memory_space<hbm>>
    %dma_wait3A_1169 = arith.constant 128 : i32
    %dma_wait3A_1170 = arith.constant 0 : i32
    %dma_wait3A_1171 = tpu.memref_slice %arg10[%dma_wait3A_1169, %dma_wait3A_1170] : memref<512x128xf32, #tpu.memory_space<vmem>> -> memref<64x128xf32, #tpu.memory_space<vmem>>
    tpu.wait_dma2 semaphore(%arg21 : memref<!tpu.dma_semaphore, #tpu.memory_space<semaphore_mem>>) src(%dma_wait3A_1171 : memref<64x128xf32, #tpu.memory_space<vmem>>) dst(%dma_wait3A_1168 : memref<64x128xf32, #tpu.memory_space<hbm>>)
    %dma_wait3A_1172 = arith.constant 192 : i32
    %dma_wait3A_1173 = arith.constant 0 : i32
    %dma_wait3A_1174 = tpu.memref_slice %arg10[%dma_wait3A_1172, %dma_wait3A_1173] : memref<512x128xf32, #tpu.memory_space<vmem>> -> memref<64x128xf32, #tpu.memory_space<vmem>>
    %dma_wait3A_1175 = arith.constant 0 : i32
    %dma_wait3A_1176 = tpu.memref_slice %arg4[%add3A_1043, %dma_wait3A_1175] : memref<16384x128xf32, #tpu.memory_space<hbm>> -> memref<64x128xf32, #tpu.memory_space<hbm>>
    %dma_wait3A_1177 = arith.constant 0 : i32
    %dma_wait3A_1178 = tpu.memref_slice %arg4[%add3A_1043, %dma_wait3A_1177] : memref<16384x128xf32, #tpu.memory_space<hbm>> -> memref<64x128xf32, #tpu.memory_space<hbm>>
    %dma_wait3A_1179 = arith.constant 192 : i32
    %dma_wait3A_1180 = arith.constant 0 : i32
    %dma_wait3A_1181 = tpu.memref_slice %arg10[%dma_wait3A_1179, %dma_wait3A_1180] : memref<512x128xf32, #tpu.memory_space<vmem>> -> memref<64x128xf32, #tpu.memory_space<vmem>>
    tpu.wait_dma2 semaphore(%arg21 : memref<!tpu.dma_semaphore, #tpu.memory_space<semaphore_mem>>) src(%dma_wait3A_1181 : memref<64x128xf32, #tpu.memory_space<vmem>>) dst(%dma_wait3A_1178 : memref<64x128xf32, #tpu.memory_space<hbm>>)
    %dma_wait3A_1182 = arith.constant 256 : i32
    %dma_wait3A_1183 = arith.constant 0 : i32
    %dma_wait3A_1184 = tpu.memref_slice %arg10[%dma_wait3A_1182, %dma_wait3A_1183] : memref<512x128xf32, #tpu.memory_space<vmem>> -> memref<64x128xf32, #tpu.memory_space<vmem>>
    %dma_wait3A_1185 = arith.constant 0 : i32
    %dma_wait3A_1186 = tpu.memref_slice %arg4[%add3A_1065, %dma_wait3A_1185] : memref<16384x128xf32, #tpu.memory_space<hbm>> -> memref<64x128xf32, #tpu.memory_space<hbm>>
    %dma_wait3A_1187 = arith.constant 0 : i32
    %dma_wait3A_1188 = tpu.memref_slice %arg4[%add3A_1065, %dma_wait3A_1187] : memref<16384x128xf32, #tpu.memory_space<hbm>> -> memref<64x128xf32, #tpu.memory_space<hbm>>
    %dma_wait3A_1189 = arith.constant 256 : i32
    %dma_wait3A_1190 = arith.constant 0 : i32
    %dma_wait3A_1191 = tpu.memref_slice %arg10[%dma_wait3A_1189, %dma_wait3A_1190] : memref<512x128xf32, #tpu.memory_space<vmem>> -> memref<64x128xf32, #tpu.memory_space<vmem>>
    tpu.wait_dma2 semaphore(%arg21 : memref<!tpu.dma_semaphore, #tpu.memory_space<semaphore_mem>>) src(%dma_wait3A_1191 : memref<64x128xf32, #tpu.memory_space<vmem>>) dst(%dma_wait3A_1188 : memref<64x128xf32, #tpu.memory_space<hbm>>)
    %dma_wait3A_1192 = arith.constant 320 : i32
    %dma_wait3A_1193 = arith.constant 0 : i32
    %dma_wait3A_1194 = tpu.memref_slice %arg10[%dma_wait3A_1192, %dma_wait3A_1193] : memref<512x128xf32, #tpu.memory_space<vmem>> -> memref<64x128xf32, #tpu.memory_space<vmem>>
    %dma_wait3A_1195 = arith.constant 0 : i32
    %dma_wait3A_1196 = tpu.memref_slice %arg4[%add3A_1087, %dma_wait3A_1195] : memref<16384x128xf32, #tpu.memory_space<hbm>> -> memref<64x128xf32, #tpu.memory_space<hbm>>
    %dma_wait3A_1197 = arith.constant 0 : i32
    %dma_wait3A_1198 = tpu.memref_slice %arg4[%add3A_1087, %dma_wait3A_1197] : memref<16384x128xf32, #tpu.memory_space<hbm>> -> memref<64x128xf32, #tpu.memory_space<hbm>>
    %dma_wait3A_1199 = arith.constant 320 : i32
    %dma_wait3A_1200 = arith.constant 0 : i32
    %dma_wait3A_1201 = tpu.memref_slice %arg10[%dma_wait3A_1199, %dma_wait3A_1200] : memref<512x128xf32, #tpu.memory_space<vmem>> -> memref<64x128xf32, #tpu.memory_space<vmem>>
    tpu.wait_dma2 semaphore(%arg21 : memref<!tpu.dma_semaphore, #tpu.memory_space<semaphore_mem>>) src(%dma_wait3A_1201 : memref<64x128xf32, #tpu.memory_space<vmem>>) dst(%dma_wait3A_1198 : memref<64x128xf32, #tpu.memory_space<hbm>>)
    %dma_wait3A_1202 = arith.constant 384 : i32
    %dma_wait3A_1203 = arith.constant 0 : i32
    %dma_wait3A_1204 = tpu.memref_slice %arg10[%dma_wait3A_1202, %dma_wait3A_1203] : memref<512x128xf32, #tpu.memory_space<vmem>> -> memref<64x128xf32, #tpu.memory_space<vmem>>
    %dma_wait3A_1205 = arith.constant 0 : i32
    %dma_wait3A_1206 = tpu.memref_slice %arg4[%add3A_1109, %dma_wait3A_1205] : memref<16384x128xf32, #tpu.memory_space<hbm>> -> memref<64x128xf32, #tpu.memory_space<hbm>>
    %dma_wait3A_1207 = arith.constant 0 : i32
    %dma_wait3A_1208 = tpu.memref_slice %arg4[%add3A_1109, %dma_wait3A_1207] : memref<16384x128xf32, #tpu.memory_space<hbm>> -> memref<64x128xf32, #tpu.memory_space<hbm>>
    %dma_wait3A_1209 = arith.constant 384 : i32
    %dma_wait3A_1210 = arith.constant 0 : i32
    %dma_wait3A_1211 = tpu.memref_slice %arg10[%dma_wait3A_1209, %dma_wait3A_1210] : memref<512x128xf32, #tpu.memory_space<vmem>> -> memref<64x128xf32, #tpu.memory_space<vmem>>
    tpu.wait_dma2 semaphore(%arg21 : memref<!tpu.dma_semaphore, #tpu.memory_space<semaphore_mem>>) src(%dma_wait3A_1211 : memref<64x128xf32, #tpu.memory_space<vmem>>) dst(%dma_wait3A_1208 : memref<64x128xf32, #tpu.memory_space<hbm>>)
    %dma_wait3A_1212 = arith.constant 448 : i32
    %dma_wait3A_1213 = arith.constant 0 : i32
    %dma_wait3A_1214 = tpu.memref_slice %arg10[%dma_wait3A_1212, %dma_wait3A_1213] : memref<512x128xf32, #tpu.memory_space<vmem>> -> memref<64x128xf32, #tpu.memory_space<vmem>>
    %dma_wait3A_1215 = arith.constant 0 : i32
    %dma_wait3A_1216 = tpu.memref_slice %arg4[%add3A_1131, %dma_wait3A_1215] : memref<16384x128xf32, #tpu.memory_space<hbm>> -> memref<64x128xf32, #tpu.memory_space<hbm>>
    %dma_wait3A_1217 = arith.constant 0 : i32
    %dma_wait3A_1218 = tpu.memref_slice %arg4[%add3A_1131, %dma_wait3A_1217] : memref<16384x128xf32, #tpu.memory_space<hbm>> -> memref<64x128xf32, #tpu.memory_space<hbm>>
    %dma_wait3A_1219 = arith.constant 448 : i32
    %dma_wait3A_1220 = arith.constant 0 : i32
    %dma_wait3A_1221 = tpu.memref_slice %arg10[%dma_wait3A_1219, %dma_wait3A_1220] : memref<512x128xf32, #tpu.memory_space<vmem>> -> memref<64x128xf32, #tpu.memory_space<vmem>>
    tpu.wait_dma2 semaphore(%arg21 : memref<!tpu.dma_semaphore, #tpu.memory_space<semaphore_mem>>) src(%dma_wait3A_1221 : memref<64x128xf32, #tpu.memory_space<vmem>>) dst(%dma_wait3A_1218 : memref<64x128xf32, #tpu.memory_space<hbm>>)
    return
  }
}

</mosaic_0001>

<sc_bundles>
// kernel: kernel.3.cloned.1.call-start
scs
__scs_entry_jumppad:
0x0: {  	(pc) =	sbr.rel $0x88, $3  }
0x1: {  	(tag) =	ssettag $0x0;
	lr =	simm.s32 $0x1  }
0x2: {  	[smem:$0x3F9F] =	sst lr;
	_ =	strace $0xD0000000  }
0x3: {  	_ = 	snop  }
0x4: {  	_ = 	snop  }
0x5: {  	_ = 	snop  }
0x6: {  	_ = 	snop  }
0x7: {  	_ = 	snop  }
__scs_overlays_trampoline_lowered:
0x8: {  	[smem:$0x3FAE] =	sst s0  }
0x9: {  	[smem:$0x3FAF] =	sst s1  }
0xa: {  	[smem:$0x3FB0] =	sst s2  }
0xb: {  	[smem:$0x3FB1] =	sst s3  }
0xc: {  	[smem:$0x3FB2] =	sst s4  }
0xd: {  	[smem:$0x3FB3] =	sst s5  }
0xe: {  	[smem:$0x3FB4] =	sst s6  }
0xf: {  	[smem:$0x3FB5] =	sst s7  }
0x10: {  	[smem:$0x3FB6] =	sst s8  }
0x11: {  	[smem:$0x3FB7] =	sst s9;
	s0 =	simm.s32 @!p0 $0x0  }
0x12: {  	s1 =	sld [smem:$0x3F9D];
	s0 =	simm.s32 @p0 $0x1  }
0x13: {  	[smem:$0x3FB8] =	sst s0;
	s0 =	simm.s32 @!p1 $0x0  }
0x14: {  	s2 =	sld [smem:$0x3F9C];
	s0 =	simm.s32 @p1 $0x1  }
0x15: {  	[smem:$0x3FB9] =	sst s0;
	s0 =	simm.s32 @!p2 $0x0  }
0x16: {  	s3 =	sld [smem:$0x3FDB];
	s0 =	simm.s32 @p2 $0x1  }
0x17: {  	s4 =	simm.s32 $0x1BF5;
	[smem:$0x3FBB] =	sst s0  }
0x18: {  	s0 =	sld [smem:$0x3F9E];
	_ =	swait.ge [sflag:s4], $0x0  }
0x19: {  	s7 =	sld [smem:$0x3F9F]  }
0x1a: {  	s8 =	sadd.s32 $0xFFFFE003, lr  }
0x1b: {  	s9 =	sadd.s32 $0xFFFFFEF7, lr;
	s5 =	simm.s32 $0xFFFFFFFF;
	p2 =	slt.u32 s8, $0xFFFFF086  }
0x1c: {  	p1 =	slt.u32 s9, $0xF7A;
	s5 =	simm.s32 @!p2 $0x0  }
0x1d: {  	s5 =	simm.s32 @p1 $0x1;
	p0 =	seq.s32 s7, s2  }
0x1e: {  	s7 =	smul.u32 @!p0 $0xF7A, s2;
	p2 =	seq.s32 @!p0 s5, $0x0  }
0x1f: {  	s9 =	smul.u32 $0xF7A, s1;
	s8 =	simm.s32 @!p0 $0x1BF5;
	p2 =	por !p2, p0  }
0x20: {  	[sflag:s8] =	ssyncset.s32 @!p0 $0xFFFFF086;
	s6 =	sadd.s32 @!p0 s3, s7;
	s7 =	simm.s32 @!p0 $0x108  }
0x21: {  	s3 =	sadd.s32 s3, s9;
	s6 =	sadd.s32 @!p0 $0x88, s6;
	s7 =	simm.s32 @p2 $0x1082  }
0x22: {  	[simem:s7], [sflag:s8] =	dma.local @!p0 [hbm:s6], $0xF7A  }
0x23: {  	s9 =	sor.u32 $0xD0000000, s2;
	s6 =	simm.s32 $0x108;
	_ =	swait.ge @!p0 [sflag:s8], $0x0  }
0x24: {  	s3 =	sadd.s32 $0x88, s3;
	s6 =	simm.s32 @!p1 $0x1082;
	[sflag:s4] =	ssyncset.s32 $0xFFFFF086  }
0x25: {  	[simem:s6], [sflag:s4] =	dma.local [hbm:s3], $0xF7A  }
0x26: {  	[smem:$0x3F9F] =	sst s1;
	(tag) =	ssettag s2;
	_ =	strace s9  }
0x27: {  	s1 =	sld [smem:$0x3FAF]  }
0x28: {  	s2 =	sld [smem:$0x3FB0]  }
0x29: {  	s4 =	sld [smem:$0x3FB2]  }
0x2a: {  	p0 =	seq.s32 s5, $0x0;
	s5 =	sld [smem:$0x3FB3]  }
0x2b: {  	s6 =	sld [smem:$0x3FB4]  }
0x2c: {  	s7 =	sld [smem:$0x3FB5]  }
0x2d: {  	s3 =	simm.s32 $0x108;
	s8 =	sld [smem:$0x3FB6]  }
0x2e: {  	s3 =	simm.s32 @!p0 $0x1082;
	s9 =	sld [smem:$0x3FB7]  }
0x2f: {  	lr =	sadd.s32 s0, s3;
	s0 =	sld [smem:$0x3FAE]  }
0x30: {  	s3 =	sld [smem:$0x3FB1]  }
0x31: {  	[smem:$0x3FBA] =	sst s10  }
0x32: {  	s10 =	sld [smem:$0x3FB8];
	_ =	sdelay $0x3  }
0x33: {  	p0 =	seq.s32 s10, $0x1;
	s10 =	sld [smem:$0x3FBA];
	_ =	sdelay $0x3  }
0x34: {  	[smem:$0x3FBA] =	sst s10  }
0x35: {  	s10 =	sld [smem:$0x3FB9];
	_ =	sdelay $0x3  }
0x36: {  	p1 =	seq.s32 s10, $0x1;
	s10 =	sld [smem:$0x3FBA];
	_ =	sdelay $0x3  }
0x37: {  	[smem:$0x3FBA] =	sst s10  }
0x38: {  	s10 =	sld [smem:$0x3FBB]  }
0x39: {  	_ = 	snop;
	(pc) =	sbr.ind lr, $3  }
0x3a: {  	_ = 	snop  }
0x3b: {  	_ = 	snop  }
0x3c: {  	p2 =	seq.s32 s10, $0x1;
	s10 =	sld [smem:$0x3FBA]  }
0x3d: {  	_ =	shalt  }
0x3e: {  	_ =	shalt  }
0x3f: {  	_ =	shalt  }
0x40: {  	_ =	shalt  }
0x41: {  	_ =	shalt  }
0x42: {  	_ =	shalt  }
0x43: {  	_ =	shalt  }
0x44: {  	_ =	shalt  }
0x45: {  	_ =	shalt  }
0x46: {  	_ =	shalt  }
0x47: {  	_ =	shalt  }
0x48: {  	_ =	shalt  }
0x49: {  	_ =	shalt  }
0x4a: {  	_ =	shalt  }
0x4b: {  	_ =	shalt  }
0x4c: {  	_ =	shalt  }
0x4d: {  	_ =	shalt  }
0x4e: {  	_ =	shalt  }
0x4f: {  	_ =	shalt  }
0x50: {  	_ =	shalt  }
0x51: {  	_ =	shalt  }
0x52: {  	_ =	shalt  }
0x53: {  	_ =	shalt  }
0x54: {  	_ =	shalt  }
0x55: {  	_ =	shalt  }
0x56: {  	_ =	shalt  }
0x57: {  	_ =	shalt  }
0x58: {  	_ =	shalt  }
0x59: {  	_ =	shalt  }
0x5a: {  	_ =	shalt  }
0x5b: {  	_ =	shalt  }
0x5c: {  	_ =	shalt  }
0x5d: {  	_ =	shalt  }
0x5e: {  	_ =	shalt  }
0x5f: {  	_ =	shalt  }
0x60: {  	_ =	shalt  }
0x61: {  	_ =	shalt  }
0x62: {  	_ =	shalt  }
0x63: {  	_ =	shalt  }
0x64: {  	_ =	shalt  }
0x65: {  	_ =	shalt  }
0x66: {  	_ =	shalt  }
0x67: {  	_ =	shalt  }
0x68: {  	_ =	shalt  }
0x69: {  	_ =	shalt  }
0x6a: {  	_ =	shalt  }
0x6b: {  	_ =	shalt  }
0x6c: {  	_ =	shalt  }
0x6d: {  	_ =	shalt  }
0x6e: {  	_ =	shalt  }
0x6f: {  	_ =	shalt  }
0x70: {  	_ =	shalt  }
0x71: {  	_ =	shalt  }
0x72: {  	_ =	shalt  }
0x73: {  	_ =	shalt  }
0x74: {  	_ =	shalt  }
0x75: {  	_ =	shalt  }
0x76: {  	_ =	shalt  }
0x77: {  	_ =	shalt  }
0x78: {  	_ =	shalt  }
0x79: {  	_ =	shalt  }
0x7a: {  	_ =	shalt  }
0x7b: {  	_ =	shalt  }
0x7c: {  	_ =	shalt  }
0x7d: {  	_ =	shalt  }
0x7e: {  	_ =	shalt  }
0x7f: {  	_ =	shalt  }
0x80: {  	_ =	shalt  }
0x81: {  	_ =	shalt  }
0x82: {  	_ =	shalt  }
0x83: {  	_ =	shalt  }
0x84: {  	_ =	shalt  }
0x85: {  	_ =	shalt  }
0x86: {  	_ =	shalt  }
0x87: {  	_ =	shalt  }
.Lfunc_end0:
.L_simem_size_0:
called_computation_lowered:
.L_overlay_start_0:
0x88: {  	s2 =	sld [smem:$0x3FD9]  }
0x89: {  	s3 =	sld [smem:$0x3FFE];
	_ =	sdelay $0x1  }
0x8a: {  	s1 =	srdreg.scid  }
0x8b: {  	s0 =	sand.u32 $0x1, s1  }
0x8c: {  	s18 =	sshll.u32 s0, $0xA;
	s2 =	sadd.s32 s3, s2  }
0x8d: {  	s2 =	sadd.s32 s2, s18  }
0x8e: {  	[smem:$0x3FC6] =	sst s2  }
0x8f: {  	_ = 	snop  }
0x90: {  	s2 =	sld [smem:$0x3FC9]  }
0x91: {  	s19 =	sld [smem:$0x3FC8]  }
0x92: {  	s4 =	sld [smem:$0x3FD0];
	(tm) =	ssettm $0x1  }
0x93: {  	s5 =	sld [smem:$0x3FFB];
	_ =	sdelay $0x3  }
0x94: {  	_ =	strace s5  }
0x95: {  	s5 =	sld [smem:$0x3FFC];
	_ =	sdelay $0x3  }
0x96: {  	_ =	strace s5  }
0x97: {  	s5 =	sld [smem:$0x3FFD];
	_ =	sdelay $0x3  }
0x98: {  	_ =	strace s5  }
0x99: {  	_ =	strace $0x8FFFFFFF  }
0x9a: {  	s20 =	sld [smem:$0x3FDB];
	_ =	sdelay $0x1  }
0x9b: {  	s6 =	simm.s32 $_scs_section_size  }
0x9c: {  	s7 =	simm.s32 $_size__tile_overlayer_lowered;
	s8 =	simm.s32 $_tile_overlayer_lowered  }
0x9d: {  	s23 =	simm.s32 $0x1BFF;
	s22 =	sshll.u32 s8, $0x1;
	s5 =	sadd.s32 s6, s20  }
0x9e: {  	s9 =	simm.s32 $0x0;
	s21 =	sshll.u32 s7, $0x1;
	s7 =	sadd.s32 s22, s5  }
0x9f: {  	[timem:s9], [sflag:s23] =	dma.local [hbm:s7], s21  }
0xa0: {  	_ =	swait.ge [sflag:s23], s21  }
0xa1: {  	s6 =	ssub.s32 $0x0, s21;
	[sflag:s23] =	ssyncset.done $0x0  }
0xa2: {  	[sflag:s23] =	ssyncadd.s32 s6;
	_ =	sdelay $0x1  }
0xa3: {  	s24 =	simm.s32 $0x1B8B  }
0xa4: {  	_ =	swait.ge [sflag:s24], $0x1  }
0xa5: {  	[sflag:s24] =	ssyncset.done $0x0  }
0xa6: {  	s25 =	simm.s32 $0x1B8E;
	[sflag:s24] =	ssyncadd.s32 $0xFFFFFFFF  }
0xa7: {  	s26 =	simm.s32 $execute0_lowered;
	[smem:$0x3FD2] =	sst s25  }
0xa8: {  	s6 =	sshll.u32 s26, $0x1;
	_ =	strace $0x80000046;
	[dreg:$0x1] =	wrdreg $0xFFFFFFFF  }
0xa9: {  	s28 =	simm.s32 $_size_execute0_lowered;
	s5 =	sadd.s32 s5, s6;
	[dreg:$0x0] =	wrdreg $0x0  }
0xaa: {  	s6 =	sshll.u32 s28, $0x1;
	[dreg:$0x2] =	wrdreg s5  }
0xab: {  	[dreg:$0x3] =	wrdreg s6  }
0xac: {  	[dreg:$0x4] =	wrdreg $0xC0  }
0xad: {  	_ =	task [dreg:s9], $0x5FFFF  }
0xae: {  	[dreg:$0x1] =	wrdreg $0xFFFFFFFF  }
0xaf: {  	[dreg:$0x0] =	wrdreg $0x60  }
0xb0: {  	[dreg:$0x2] =	wrdreg s2  }
0xb1: {  	[dreg:$0x3] =	wrdreg s19  }
0xb2: {  	[dreg:$0x4] =	wrdreg s4  }
0xb3: {  	[dreg:$0x5] =	wrdreg $0x119000  }
0xb4: {  	[dreg:$0x6] =	wrdreg $0x11B000  }
0xb5: {  	[dreg:$0x7] =	wrdreg $0x9  }
0xb6: {  	_ =	task.clear_ibuf [dreg:s9], $0x8FFFF;
	_ =	strace $0x90000046  }
0xb7: {  	s29 =	simm.s32 $0x9;
	_ =	strace $0x80000048  }
0xb8: {  	_ =	swait.ge [sflag:s29], $0x1  }
0xb9: {  	[sflag:s29] =	ssyncadd.s32 $0xFFFFFFFF  }
0xba: {  	_ =	strace $0x90000048  }
0xbb: {  	_ =	sfence  }
0xbc: {  	s30 =	sld [smem:$0x0];
	_ =	sdelay $0x2  }
0xbd: {  	s31 =	sshll.u32 s1, $0xD;
	s1 =	sshrl.u32 s1, $0x2  }
0xbe: {  	s3 =	sand.u32 $0x4000, s31;
	s1 =	sadd.s32 s1, s30  }
0xbf: {  	s0 =	sor.u32 s3, s0;
	s1 =	sshll.u32 s1, $0x11  }
0xc0: {  	s0 =	sor.u32 s1, s0  }
0xc1: {  	s0 =	sadd.s32 $0x8F2B, s0  }
0xc2: {  	[sflag:s0] =	ssyncadd.remote.s32 $0x1  }
0xc3: {  	_ =	sfence.sel $0xFFFF  }
0xc4: {  	[dreg:$0x0] =	wrdreg $0xFFFFFFFF;
	(pc) =	sbr.abs _section_cstart, $3  }
0xc5: {  	[dreg:$0x1] =	wrdreg $0xFFFFFFFF  }
0xc6: {  	_ =	task.clear_ibuf [dreg:s9], $0x2FFFF;
	_ =	strace $0x9FFFFFFF  }
0xc7: {  	(tm) =	ssettm $0x7FFFFFFF  }
tec
execute0_lowered:
.L_overlay_start_1:
0x0: {  	(tag) =	ssettag $0x1  }
0x1: {  	s5 =	rddreg [dreg:$0x0]  }
0x2: {  	s6 =	rddreg [dreg:$0x1]  }
0x3: {  	s7 =	rddreg [dreg:$0x2]  }
0x4: {  	s1 =	rddreg [dreg:$0x3]  }
0x5: {  	s3 =	rddreg [dreg:$0x4];
	s4 =	simm.s32 $0x0;
	s0 =	stileid.u32  }
0x6: {  	s9 =	srdreg.scid;
	s31 =	simm.s32 $0x480;
	s12 =	simm.s32 $0x1500  }
0x7: {  	s28 =	simm.s32 $0x8;
	s29 =	simm.s32 $0x9;
	[smem:$0x7FF] =	sst s4  }
0x8: {  	s8 =	sshll.u32 s0, $0x7;
	s10 =	sshll.u32 s0, $0x6;
	s9 =	sand.u32 $0x1, s9  }
0x9: {  	s15 =	sshll.u32 s0, $0x8;
	s16 =	sshll.u32 s0, $0xE;
	s24 =	sshll.u32 s0, $0x9  }
0xa: {  	_ =	strace $0x80000047;
	s5 =	sadd.s32 s5, s8;
	s13 =	sadd.s32 s6, s10  }
0xb: {  	s14 =	sor.u32 $0x1C0A, s10;
	s6 =	sand.u32 $0x800, s15;
	[dreg:$0x12] =	wrdreg s31  }
0xc: {  	s11 =	sshll.u32 s9, $0xD;
	s8 =	sand.u32 $0x380, s8;
	[dreg:$0x13] =	wrdreg s12  }
0xd: {  	s20 =	ssub.s32 $0x2, s9;
	s12 =	simm.s32 $0x40;
	[dreg:$0x6] =	wrdreg s5  }
0xe: {  	s15 =	simm.s32 $0x1680;
	[dreg:$0x7] =	wrdreg s13;
	s6 =	sadd.s32 s6, s3  }
0xf: {  	s10 =	sor.u32 s11, s16;
	[dreg:$0x8] =	wrdreg s14;
	s22 =	sshrl.u32 s20, $0x1  }
0x10: {  	s11 =	simm.s32 $0x1480;
	s13 =	simm.s32 $0x1580;
	s14 =	simm.s32 $0x1600  }
0x11: {  	[dreg:$0x16] =	wrdreg s15;
	s16 =	simm.s32 $0x1700;
	s15 =	simm.s32 $0x5900  }
0x12: {  	s6 =	sadd.s32 s8, s6;
	s5 =	sadd.s32 s7, s10;
	[dreg:$0x14] =	wrdreg s13  }
0x13: {  	s10 =	sadd.s32 s24, s1;
	s7 =	ssub.s32 s20, s22;
	[dreg:$0x15] =	wrdreg s14  }
0x14: {  	s8 =	simm.s32 $0xA;
	s13 =	simm.s32 $0x1900;
	[dreg:$0x17] =	wrdreg s16  }
0x15: {  	s14 =	simm.s32 $0x3900;
	s20 =	simm.s32 $0x1880;
	[dreg:$0x9] =	wrdreg s6  }
0x16: {  	s16 =	simm.s32 $0x7900;
	s17 =	sadd.s32 $0x400, s5;
	[dreg:$0x1a] =	wrdreg s20  }
0x17: {  	s22 =	simm.s32 $0x3;
	s18 =	sadd.s32 $0x800, s5;
	[dreg:$0xa] =	wrdreg s17  }
0x18: {  	s24 =	simm.s32 $0x5;
	s19 =	sadd.s32 $0xC00, s5;
	[dreg:$0xb] =	wrdreg s18  }
0x19: {  	s21 =	sadd.s32 $0x1000, s5;
	s23 =	sadd.s32 $0x1400, s5;
	[dreg:$0xc] =	wrdreg s19  }
0x1a: {  	s25 =	sadd.s32 $0x1800, s5;
	s26 =	sadd.s32 $0x1C00, s5;
	[dreg:$0xd] =	wrdreg s21  }
0x1b: {  	s30 =	sshrl.u32 s10, $0x3;
	s6 =	sshll.u32 s9, $0x9;
	[dreg:$0xe] =	wrdreg s23  }
0x1c: {  	s7 =	smax.u32 s7, $0x1;
	s9 =	simm.s32 $0x1;
	[dreg:$0xf] =	wrdreg s25  }
0x1d: {  	s10 =	simm.s32 $0x400;
	s20 =	simm.s32 $0xF900;
	[dreg:$0x10] =	wrdreg s26  }
0x1e: {  	[dreg:$0x11] =	wrdreg s30;
	s17 =	simm.s32 $0x1780;
	s18 =	simm.s32 $0x1800  }
0x1f: {  	s19 =	simm.s32 $0xD900;
	s21 =	simm.s32 $0x2;
	s23 =	simm.s32 $0x4  }
0x20: {  	s25 =	simm.s32 $0x6;
	s26 =	simm.s32 $0x7;
	[dreg:$0x18] =	wrdreg s17  }
0x21: {  	v0 =	vimm.s32 $0x0;
	v1 =	vimm.s32 $0x1;
	s17 =	simm.s32 $0x9900;
	[dreg:$0x19] =	wrdreg s18;
	s18 =	simm.s32 $0xB900  }
.LBB2_1:
0x22: {  	s30 =	rddreg [dreg:$0x6]  }
0x23: {  	s31 =	rddreg [dreg:$0x7]  }
0x24: {  	s0 =	rddreg [dreg:$0x8]  }
0x25: {  	s2 =	rddreg [dreg:$0x11]  }
0x26: {  	[tilespmem:s4], [sflag:$0x1] =	stream.linear.gather [hbm4b:s30+s4], $0x400, $0x38;
	[tilespmem:$0x11C00] =	vst v63  }
0x27: {  	[spmem:s2], [sflag:s0] =	dma.local [hbm:s31], $0x40  }
0x28: {  	_ =	swait.ge [sflag:s8], $0x40  }
0x29: {  	[sflag:s8] =	ssyncset.done $0x0  }
0x2a: {  	[sflag:s8] =	ssyncadd.s32 $0xFFFFFFC0  }
0x2b: {  	[tilespmem:$0x400] =	vst v0  }
0x2c: {  	[tilespmem:$0x410] =	vst v0  }
0x2d: {  	[tilespmem:$0x420] =	vst v0  }
0x2e: {  	[tilespmem:$0x430] =	vst v0  }
0x2f: {  	_ =	swait.ge [sflag:s9], $0x400  }
0x30: {  	[sflag:s9] =	ssyncset.done $0x0  }
0x31: {  	[sflag:s9] =	ssyncadd.s32 $0xFFFFFC00  }
0x32: {  	v2 =	vld [tilespmem:$0x0];
	_ =	sdelay $0x7  }
0x33: {  	[tilespmem:v2+s10+$0x0] =	vst.idx.msk $0xffff, v1  }
0x34: {  	v2 =	vld [tilespmem:$0x10];
	_ =	sdelay $0x7  }
0x35: {  	[tilespmem:v2+s10+$0x0] =	vst.idx.msk $0xffff, v1  }
0x36: {  	v2 =	vld [tilespmem:$0x20];
	_ =	sdelay $0x7  }
0x37: {  	[tilespmem:v2+s10+$0x0] =	vst.idx.msk $0xffff, v1  }
0x38: {  	v2 =	vld [tilespmem:$0x30];
	_ =	sdelay $0x7  }
0x39: {  	[tilespmem:v2+s10+$0x0] =	vst.idx.msk $0xffff, v1  }
0x3a: {  	v2 =	vld [tilespmem:$0x40];
	_ =	sdelay $0x7  }
0x3b: {  	[tilespmem:v2+s10+$0x0] =	vst.idx.msk $0xffff, v1  }
0x3c: {  	v2 =	vld [tilespmem:$0x50];
	_ =	sdelay $0x7  }
0x3d: {  	[tilespmem:v2+s10+$0x0] =	vst.idx.msk $0xffff, v1  }
0x3e: {  	v2 =	vld [tilespmem:$0x60];
	_ =	sdelay $0x7  }
0x3f: {  	[tilespmem:v2+s10+$0x0] =	vst.idx.msk $0xffff, v1  }
0x40: {  	v2 =	vld [tilespmem:$0x70];
	_ =	sdelay $0x7  }
0x41: {  	[tilespmem:v2+s10+$0x0] =	vst.idx.msk $0xffff, v1  }
0x42: {  	v2 =	vld [tilespmem:$0x80];
	_ =	sdelay $0x7  }
0x43: {  	[tilespmem:v2+s10+$0x0] =	vst.idx.msk $0xffff, v1  }
0x44: {  	v2 =	vld [tilespmem:$0x90];
	_ =	sdelay $0x7  }
0x45: {  	[tilespmem:v2+s10+$0x0] =	vst.idx.msk $0xffff, v1  }
0x46: {  	v2 =	vld [tilespmem:$0xA0];
	_ =	sdelay $0x7  }
0x47: {  	[tilespmem:v2+s10+$0x0] =	vst.idx.msk $0xffff, v1  }
0x48: {  	v2 =	vld [tilespmem:$0xB0];
	_ =	sdelay $0x7  }
0x49: {  	[tilespmem:v2+s10+$0x0] =	vst.idx.msk $0xffff, v1  }
0x4a: {  	v2 =	vld [tilespmem:$0xC0];
	_ =	sdelay $0x7  }
0x4b: {  	[tilespmem:v2+s10+$0x0] =	vst.idx.msk $0xffff, v1  }
0x4c: {  	v2 =	vld [tilespmem:$0xD0];
	_ =	sdelay $0x7  }
0x4d: {  	[tilespmem:v2+s10+$0x0] =	vst.idx.msk $0xffff, v1  }
0x4e: {  	v2 =	vld [tilespmem:$0xE0];
	_ =	sdelay $0x7  }
0x4f: {  	[tilespmem:v2+s10+$0x0] =	vst.idx.msk $0xffff, v1  }
0x50: {  	v2 =	vld [tilespmem:$0xF0];
	_ =	sdelay $0x7  }
0x51: {  	[tilespmem:v2+s10+$0x0] =	vst.idx.msk $0xffff, v1  }
0x52: {  	v2 =	vld [tilespmem:$0x100];
	_ =	sdelay $0x7  }
0x53: {  	[tilespmem:v2+s10+$0x0] =	vst.idx.msk $0xffff, v1  }
0x54: {  	v2 =	vld [tilespmem:$0x110];
	_ =	sdelay $0x7  }
0x55: {  	[tilespmem:v2+s10+$0x0] =	vst.idx.msk $0xffff, v1  }
0x56: {  	v2 =	vld [tilespmem:$0x120];
	_ =	sdelay $0x7  }
0x57: {  	[tilespmem:v2+s10+$0x0] =	vst.idx.msk $0xffff, v1  }
0x58: {  	v2 =	vld [tilespmem:$0x130];
	_ =	sdelay $0x7  }
0x59: {  	[tilespmem:v2+s10+$0x0] =	vst.idx.msk $0xffff, v1  }
0x5a: {  	v2 =	vld [tilespmem:$0x140];
	_ =	sdelay $0x7  }
0x5b: {  	[tilespmem:v2+s10+$0x0] =	vst.idx.msk $0xffff, v1  }
0x5c: {  	v2 =	vld [tilespmem:$0x150];
	_ =	sdelay $0x7  }
0x5d: {  	[tilespmem:v2+s10+$0x0] =	vst.idx.msk $0xffff, v1  }
0x5e: {  	v2 =	vld [tilespmem:$0x160];
	_ =	sdelay $0x7  }
0x5f: {  	[tilespmem:v2+s10+$0x0] =	vst.idx.msk $0xffff, v1  }
0x60: {  	v2 =	vld [tilespmem:$0x170];
	_ =	sdelay $0x7  }
0x61: {  	[tilespmem:v2+s10+$0x0] =	vst.idx.msk $0xffff, v1  }
0x62: {  	v2 =	vld [tilespmem:$0x180];
	_ =	sdelay $0x7  }
0x63: {  	[tilespmem:v2+s10+$0x0] =	vst.idx.msk $0xffff, v1  }
0x64: {  	v2 =	vld [tilespmem:$0x190];
	_ =	sdelay $0x7  }
0x65: {  	[tilespmem:v2+s10+$0x0] =	vst.idx.msk $0xffff, v1  }
0x66: {  	v2 =	vld [tilespmem:$0x1A0];
	_ =	sdelay $0x7  }
0x67: {  	[tilespmem:v2+s10+$0x0] =	vst.idx.msk $0xffff, v1  }
0x68: {  	v2 =	vld [tilespmem:$0x1B0];
	_ =	sdelay $0x7  }
0x69: {  	[tilespmem:v2+s10+$0x0] =	vst.idx.msk $0xffff, v1  }
0x6a: {  	v2 =	vld [tilespmem:$0x1C0];
	_ =	sdelay $0x7  }
0x6b: {  	[tilespmem:v2+s10+$0x0] =	vst.idx.msk $0xffff, v1  }
0x6c: {  	v2 =	vld [tilespmem:$0x1D0];
	_ =	sdelay $0x7  }
0x6d: {  	[tilespmem:v2+s10+$0x0] =	vst.idx.msk $0xffff, v1  }
0x6e: {  	v2 =	vld [tilespmem:$0x1E0];
	_ =	sdelay $0x7  }
0x6f: {  	[tilespmem:v2+s10+$0x0] =	vst.idx.msk $0xffff, v1  }
0x70: {  	v2 =	vld [tilespmem:$0x1F0];
	_ =	sdelay $0x7  }
0x71: {  	[tilespmem:v2+s10+$0x0] =	vst.idx.msk $0xffff, v1  }
0x72: {  	v2 =	vld [tilespmem:$0x200];
	_ =	sdelay $0x7  }
0x73: {  	[tilespmem:v2+s10+$0x0] =	vst.idx.msk $0xffff, v1  }
0x74: {  	v2 =	vld [tilespmem:$0x210];
	_ =	sdelay $0x7  }
0x75: {  	[tilespmem:v2+s10+$0x0] =	vst.idx.msk $0xffff, v1  }
0x76: {  	v2 =	vld [tilespmem:$0x220];
	_ =	sdelay $0x7  }
0x77: {  	[tilespmem:v2+s10+$0x0] =	vst.idx.msk $0xffff, v1  }
0x78: {  	v2 =	vld [tilespmem:$0x230];
	_ =	sdelay $0x7  }
0x79: {  	[tilespmem:v2+s10+$0x0] =	vst.idx.msk $0xffff, v1  }
0x7a: {  	v2 =	vld [tilespmem:$0x240];
	_ =	sdelay $0x7  }
0x7b: {  	[tilespmem:v2+s10+$0x0] =	vst.idx.msk $0xffff, v1  }
0x7c: {  	v2 =	vld [tilespmem:$0x250];
	_ =	sdelay $0x7  }
0x7d: {  	[tilespmem:v2+s10+$0x0] =	vst.idx.msk $0xffff, v1  }
0x7e: {  	v2 =	vld [tilespmem:$0x260];
	_ =	sdelay $0x7  }
0x7f: {  	[tilespmem:v2+s10+$0x0] =	vst.idx.msk $0xffff, v1  }
0x80: {  	v2 =	vld [tilespmem:$0x270];
	_ =	sdelay $0x7  }
0x81: {  	[tilespmem:v2+s10+$0x0] =	vst.idx.msk $0xffff, v1  }
0x82: {  	v2 =	vld [tilespmem:$0x280];
	_ =	sdelay $0x7  }
0x83: {  	[tilespmem:v2+s10+$0x0] =	vst.idx.msk $0xffff, v1  }
0x84: {  	v2 =	vld [tilespmem:$0x290];
	_ =	sdelay $0x7  }
0x85: {  	[tilespmem:v2+s10+$0x0] =	vst.idx.msk $0xffff, v1  }
0x86: {  	v2 =	vld [tilespmem:$0x2A0];
	_ =	sdelay $0x7  }
0x87: {  	[tilespmem:v2+s10+$0x0] =	vst.idx.msk $0xffff, v1  }
0x88: {  	v2 =	vld [tilespmem:$0x2B0];
	_ =	sdelay $0x7  }
0x89: {  	[tilespmem:v2+s10+$0x0] =	vst.idx.msk $0xffff, v1  }
0x8a: {  	v2 =	vld [tilespmem:$0x2C0];
	_ =	sdelay $0x7  }
0x8b: {  	[tilespmem:v2+s10+$0x0] =	vst.idx.msk $0xffff, v1  }
0x8c: {  	v2 =	vld [tilespmem:$0x2D0];
	_ =	sdelay $0x7  }
0x8d: {  	[tilespmem:v2+s10+$0x0] =	vst.idx.msk $0xffff, v1  }
0x8e: {  	v2 =	vld [tilespmem:$0x2E0];
	_ =	sdelay $0x7  }
0x8f: {  	[tilespmem:v2+s10+$0x0] =	vst.idx.msk $0xffff, v1  }
0x90: {  	v2 =	vld [tilespmem:$0x2F0];
	_ =	sdelay $0x7  }
0x91: {  	[tilespmem:v2+s10+$0x0] =	vst.idx.msk $0xffff, v1  }
0x92: {  	v2 =	vld [tilespmem:$0x300];
	_ =	sdelay $0x7  }
0x93: {  	[tilespmem:v2+s10+$0x0] =	vst.idx.msk $0xffff, v1  }
0x94: {  	v2 =	vld [tilespmem:$0x310];
	_ =	sdelay $0x7  }
0x95: {  	[tilespmem:v2+s10+$0x0] =	vst.idx.msk $0xffff, v1  }
0x96: {  	v2 =	vld [tilespmem:$0x320];
	_ =	sdelay $0x7  }
0x97: {  	[tilespmem:v2+s10+$0x0] =	vst.idx.msk $0xffff, v1  }
0x98: {  	v2 =	vld [tilespmem:$0x330];
	_ =	sdelay $0x7  }
0x99: {  	[tilespmem:v2+s10+$0x0] =	vst.idx.msk $0xffff, v1  }
0x9a: {  	v2 =	vld [tilespmem:$0x340];
	_ =	sdelay $0x7  }
0x9b: {  	[tilespmem:v2+s10+$0x0] =	vst.idx.msk $0xffff, v1  }
0x9c: {  	v2 =	vld [tilespmem:$0x350];
	_ =	sdelay $0x7  }
0x9d: {  	[tilespmem:v2+s10+$0x0] =	vst.idx.msk $0xffff, v1  }
0x9e: {  	v2 =	vld [tilespmem:$0x360];
	_ =	sdelay $0x7  }
0x9f: {  	[tilespmem:v2+s10+$0x0] =	vst.idx.msk $0xffff, v1  }
0xa0: {  	v2 =	vld [tilespmem:$0x370];
	_ =	sdelay $0x7  }
0xa1: {  	[tilespmem:v2+s10+$0x0] =	vst.idx.msk $0xffff, v1  }
0xa2: {  	v2 =	vld [tilespmem:$0x380];
	_ =	sdelay $0x7  }
0xa3: {  	[tilespmem:v2+s10+$0x0] =	vst.idx.msk $0xffff, v1  }
0xa4: {  	v2 =	vld [tilespmem:$0x390];
	_ =	sdelay $0x7  }
0xa5: {  	[tilespmem:v2+s10+$0x0] =	vst.idx.msk $0xffff, v1  }
0xa6: {  	v2 =	vld [tilespmem:$0x3A0];
	_ =	sdelay $0x7  }
0xa7: {  	[tilespmem:v2+s10+$0x0] =	vst.idx.msk $0xffff, v1  }
0xa8: {  	v2 =	vld [tilespmem:$0x3B0];
	_ =	sdelay $0x7  }
0xa9: {  	[tilespmem:v2+s10+$0x0] =	vst.idx.msk $0xffff, v1  }
0xaa: {  	v2 =	vld [tilespmem:$0x3C0];
	_ =	sdelay $0x7  }
0xab: {  	[tilespmem:v2+s10+$0x0] =	vst.idx.msk $0xffff, v1  }
0xac: {  	v2 =	vld [tilespmem:$0x3D0];
	_ =	sdelay $0x7  }
0xad: {  	[tilespmem:v2+s10+$0x0] =	vst.idx.msk $0xffff, v1  }
0xae: {  	v2 =	vld [tilespmem:$0x3E0];
	_ =	sdelay $0x7  }
0xaf: {  	[tilespmem:v2+s10+$0x0] =	vst.idx.msk $0xffff, v1  }
0xb0: {  	v2 =	vld [tilespmem:$0x3F0];
	_ =	sdelay $0x7  }
0xb1: {  	s30 =	rddreg [dreg:$0x9];
	[tilespmem:v2+s10+$0x0] =	vst.idx.msk $0xffff, v1  }
0xb2: {  	[spmem:s30] =	stream.linear.scatter [tilespmem:s10], [sflag:$0xA], $0x40, $0x38;
	[tilespmem:$0x11C00] =	vst v63  }
0xb3: {  	_ =	swait.ge [sflag:s8], $0x40  }
0xb4: {  	[sflag:s8] =	ssyncset.done $0x0  }
0xb5: {  	[sflag:s8] =	ssyncadd.s32 $0xFFFFFFC0  }
0xb6: {  	[bflag:$0x0] =	sbarrier.arrive $0xFFFF  }
0xb7: {  	s31 =	rddreg [dreg:$0x12]  }
0xb8: {  	[tilespmem:s31], [sflag:$0xA] =	stream.linear.gather [spmem:s3], $0x1000, $0x38;
	[tilespmem:$0x11C00] =	vst v63  }
0xb9: {  	_ =	swait.ge [sflag:s8], $0x1000  }
0xba: {  	[sflag:s8] =	ssyncset.done $0x0  }
0xbb: {  	[sflag:s8] =	ssyncadd.s32 $0xFFFFF000  }
0xbc: {  	v2 =	vld [tilespmem:$0x480]  }
0xbd: {  	v3 =	vld [tilespmem:$0x500]  }
0xbe: {  	v4 =	vld [tilespmem:$0x580]  }
0xbf: {  	v5 =	vld [tilespmem:$0x600]  }
0xc0: {  	v6 =	vld [tilespmem:$0x680]  }
0xc1: {  	v7 =	vld [tilespmem:$0x700]  }
0xc2: {  	v8 =	vld [tilespmem:$0x780]  }
0xc3: {  	v9 =	vld [tilespmem:$0x800]  }
0xc4: {  	v10 =	vld [tilespmem:$0xC80]  }
0xc5: {  	v11 =	vld [tilespmem:$0xD00]  }
0xc6: {  	v12 =	vld [tilespmem:$0xD80]  }
0xc7: {  	v13 =	vld [tilespmem:$0xE00]  }
0xc8: {  	v14 =	vld [tilespmem:$0xE80]  }
0xc9: {  	v15 =	vld [tilespmem:$0xF00]  }
0xca: {  	v16 =	vld [tilespmem:$0xF80]  }
0xcb: {  	v17 =	vld [tilespmem:$0x1000]  }
0xcc: {  	v18 =	vld [tilespmem:$0x490]  }
0xcd: {  	v19 =	vld [tilespmem:$0x510]  }
0xce: {  	v20 =	vld [tilespmem:$0x590]  }
0xcf: {  	v21 =	vld [tilespmem:$0x610]  }
0xd0: {  	v22 =	vld [tilespmem:$0x690]  }
0xd1: {  	v23 =	vld [tilespmem:$0x710]  }
0xd2: {  	v24 =	vld [tilespmem:$0x790]  }
0xd3: {  	v25 =	vld [tilespmem:$0x810]  }
0xd4: {  	v26 =	vld [tilespmem:$0xC90]  }
0xd5: {  	v27 =	vld [tilespmem:$0xD10]  }
0xd6: {  	v28 =	vld [tilespmem:$0xD90]  }
0xd7: {  	v29 =	vld [tilespmem:$0xE10]  }
0xd8: {  	v30 =	vld [tilespmem:$0xE90]  }
0xd9: {  	v31 =	vld [tilespmem:$0xF10]  }
0xda: {  	v32 =	vld [tilespmem:$0xF90]  }
0xdb: {  	v33 =	vld [tilespmem:$0x1010]  }
0xdc: {  	v34 =	vld [tilespmem:$0x4A0]  }
0xdd: {  	v35 =	vld [tilespmem:$0x520]  }
0xde: {  	v36 =	vld [tilespmem:$0x5A0];
	v2 =	vadd.s32 v2, v3  }
0xdf: {  	v37 =	vld [tilespmem:$0x620];
	v61 =	vadd.s32 v18, v19;
	v2 =	vadd.s32 v4, v2  }
0xe0: {  	v3 =	vld [tilespmem:$0x6A0];
	v4 =	vadd.s32 v20, v61;
	v2 =	vadd.s32 v5, v2  }
0xe1: {  	v62 =	vld [tilespmem:$0x720];
	v4 =	vadd.s32 v21, v4;
	v2 =	vadd.s32 v6, v2  }
0xe2: {  	v63 =	vadd.s32 v34, v35;
	v34 =	vld [tilespmem:$0x7A0];
	v4 =	vadd.s32 v22, v4;
	v2 =	vadd.s32 v7, v2  }
0xe3: {  	v35 =	vld [tilespmem:$0x820];
	v5 =	vadd.s32 v36, v63;
	v4 =	vadd.s32 v23, v4;
	v2 =	vadd.s32 v8, v2  }
0xe4: {  	v36 =	vld [tilespmem:$0xCA0];
	v5 =	vadd.s32 v37, v5;
	v4 =	vadd.s32 v24, v4;
	v2 =	vadd.s32 v9, v2  }
0xe5: {  	v37 =	vld [tilespmem:$0xD20];
	v3 =	vadd.s32 v3, v5;
	v4 =	vadd.s32 v25, v4;
	v2 =	vadd.s32 v10, v2  }
0xe6: {  	v38 =	vld [tilespmem:$0xDA0];
	v3 =	vadd.s32 v62, v3;
	v4 =	vadd.s32 v26, v4;
	v2 =	vadd.s32 v11, v2  }
0xe7: {  	v39 =	vld [tilespmem:$0xE20];
	v3 =	vadd.s32 v34, v3;
	v4 =	vadd.s32 v27, v4;
	v2 =	vadd.s32 v12, v2  }
0xe8: {  	v40 =	vld [tilespmem:$0xEA0];
	v3 =	vadd.s32 v35, v3;
	v4 =	vadd.s32 v28, v4;
	v2 =	vadd.s32 v13, v2  }
0xe9: {  	v41 =	vld [tilespmem:$0xF20];
	v3 =	vadd.s32 v36, v3;
	v4 =	vadd.s32 v29, v4;
	v2 =	vadd.s32 v14, v2  }
0xea: {  	v42 =	vld [tilespmem:$0xFA0];
	v3 =	vadd.s32 v37, v3;
	v4 =	vadd.s32 v30, v4;
	v2 =	vadd.s32 v15, v2  }
0xeb: {  	v43 =	vld [tilespmem:$0x1020];
	v3 =	vadd.s32 v38, v3;
	v4 =	vadd.s32 v31, v4;
	v2 =	vadd.s32 v16, v2  }
0xec: {  	v3 =	vadd.s32 v39, v3;
	v4 =	vadd.s32 v32, v4;
	v2 =	vadd.s32 v17, v2  }
0xed: {  	v3 =	vadd.s32 v40, v3;
	vm0 =	vgt.s32 v2, $0x0;
	v2 =	vadd.s32 v33, v4  }
0xee: {  	v44 =	vld [tilespmem:$0x4B0];
	v3 =	vadd.s32 v41, v3;
	v46 =	vsel vm0, $0x1, v0;
	vm15 =	vgt.s32 v2, $0x0  }
0xef: {  	v45 =	vld [tilespmem:$0x530];
	v3 =	vadd.s32 v42, v3;
	(xrf0) =	vadd.scan.msk.s32 $0xffff, v46;
	v47 =	vsel vm15, $0x1, v0  }
0xf0: {  	v2 =	vadd.s32 v43, v3;
	v3 =	vld [tilespmem:$0x5B0];
	(xrf0) =	vadd.scan.msk.s32 $0xffff, v47  }
0xf1: {  	vm1 =	vgt.s32 v2, $0x0;
	v2 =	vld [tilespmem:$0x630]  }
0xf2: {  	v49 =	vld [tilespmem:$0x6B0];
	v48 =	vsel vm1, $0x1, v0  }
0xf3: {  	v50 =	vld [tilespmem:$0x730];
	(xrf0) =	vadd.scan.msk.s32 $0xffff, v48  }
0xf4: {  	v51 =	vld [tilespmem:$0x7B0];
	v4 =	vadd.s32 v44, v45  }
0xf5: {  	v52 =	vld [tilespmem:$0x830];
	v3 =	vadd.s32 v3, v4;
	v53, _, _ =	vpop (xrf0)  }
0xf6: {  	v2 =	vadd.s32 v2, v3;
	v3 =	vld [tilespmem:$0xCB0];
	v55, _, _ =	vpop (xrf0);
	(v2sf) =	vpush v53, $0xF  }
0xf7: {  	v54 =	vld [tilespmem:$0xD30];
	v2 =	vadd.s32 v49, v2;
	(v2sf) =	vpush v55, $0xF  }
0xf8: {  	v56 =	vld [tilespmem:$0xDB0];
	v2 =	vadd.s32 v50, v2  }
0xf9: {  	v58 =	vld [tilespmem:$0xE30];
	v57, _, _ =	vpop (xrf0);
	v2 =	vadd.s32 v51, v2  }
0xfa: {  	v59 =	vld [tilespmem:$0xEB0];
	(v2sf) =	vpush v57, $0xF;
	v2 =	vadd.s32 v52, v2  }
0xfb: {  	v2 =	vadd.s32 v3, v2;
	v3 =	vld [tilespmem:$0xF30]  }
0xfc: {  	v60 =	vld [tilespmem:$0xFB0];
	v2 =	vadd.s32 v54, v2  }
0xfd: {  	v61 =	vld [tilespmem:$0x1030];
	v2 =	vadd.s32 v56, v2  }
0xfe: {  	v2 =	vadd.s32 v58, v2  }
0xff: {  	v2 =	vadd.s32 v59, v2  }
0x100: {  	v2 =	vadd.s32 v3, v2  }
0x101: {  	v2 =	vadd.s32 v60, v2  }
0x102: {  	v2 =	vadd.s32 v61, v2  }
0x103: {  	vm2 =	vgt.s32 v2, $0x0  }
0x104: {  	v2 =	vsel vm2, $0x1, v0  }
0x105: {  	(xrf0) =	vadd.scan.msk.s32 $0xffff, v2;
	s2 =	spop (v2sf)  }
0x106: {  	v2 =	vbroadcast v53, $0xF;
	s30 =	spop (v2sf)  }
0x107: {  	v62 =	vsel vm1, $0xFFFFFFFF, v0;
	v3 =	vsel vm15, $0xFFFFFFFF, v0;
	s0 =	sadd.s32 s2, s30  }
0x108: {  	v2 =	vadd.s32 v3, v2;
	v3 =	vadd.s32 s0, v62  }
0x109: {  	v5 =	vsub.s32 v53, v46;
	s31 =	spop (v2sf)  }
0x10a: {  	[tilespmem:$0x1480] =	vst v5;
	v63 =	vsel vm2, $0xFFFFFFFF, v0;
	v2 =	vadd.s32 v55, v2;
	s0 =	sadd.s32 s0, s31  }
0x10b: {  	[tilespmem:$0x1490] =	vst v2;
	v2 =	vadd.s32 v57, v3;
	v4 =	vadd.s32 s0, v63;
	v3, _, _ =	vpop (xrf0)  }
0x10c: {  	[tilespmem:$0x14A0] =	vst v2;
	v2 =	vadd.s32 v3, v4  }
0x10d: {  	[tilespmem:$0x14B0] =	vst v2  }
0x10e: {  	v2 =	vld [tilespmem:s6+$0x0];
	_ =	sdelay $0x7  }
0x10f: {  	v2 =	vld.idx.msk [tilespmem:v2+s11+$0x0], $0xffff;
	_ =	sdelay $0x4  }
0x110: {  	[tilespmem:$0x1500] =	vst v2  }
0x111: {  	v2 =	vld [tilespmem:s6+$0x10];
	_ =	sdelay $0x7  }
0x112: {  	v2 =	vld.idx.msk [tilespmem:v2+s11+$0x0], $0xffff;
	_ =	sdelay $0x4  }
0x113: {  	[tilespmem:$0x1510] =	vst v2  }
0x114: {  	v2 =	vld [tilespmem:s6+$0x20];
	_ =	sdelay $0x7  }
0x115: {  	v2 =	vld.idx.msk [tilespmem:v2+s11+$0x0], $0xffff;
	_ =	sdelay $0x4  }
0x116: {  	[tilespmem:$0x1520] =	vst v2  }
0x117: {  	v2 =	vld [tilespmem:s6+$0x30];
	_ =	sdelay $0x7  }
0x118: {  	v2 =	vld.idx.msk [tilespmem:v2+s11+$0x0], $0xffff;
	_ =	sdelay $0x4  }
0x119: {  	s2 =	rddreg [dreg:$0x13];
	[tilespmem:$0x1530] =	vst v2  }
0x11a: {  	[tilespmem:s13], [sflag:$0x1] =	stream.indirect.gather [spmem:s1], $0x80, s2, s12, $0xb8;
	[tilespmem:$0x11C00] =	vst v63  }
0x11b: {  	v2 =	vld [tilespmem:s6+$0x40];
	_ =	sdelay $0x7  }
0x11c: {  	v2 =	vld.idx.msk [tilespmem:v2+s11+$0x0], $0xffff;
	_ =	sdelay $0x4  }
0x11d: {  	[tilespmem:$0x1580] =	vst v2  }
0x11e: {  	v2 =	vld [tilespmem:s6+$0x50];
	_ =	sdelay $0x7  }
0x11f: {  	v2 =	vld.idx.msk [tilespmem:v2+s11+$0x0], $0xffff;
	_ =	sdelay $0x4  }
0x120: {  	[tilespmem:$0x1590] =	vst v2  }
0x121: {  	v2 =	vld [tilespmem:s6+$0x60];
	_ =	sdelay $0x7  }
0x122: {  	v2 =	vld.idx.msk [tilespmem:v2+s11+$0x0], $0xffff;
	_ =	sdelay $0x4  }
0x123: {  	[tilespmem:$0x15A0] =	vst v2  }
0x124: {  	v2 =	vld [tilespmem:s6+$0x70];
	_ =	sdelay $0x7  }
0x125: {  	v2 =	vld.idx.msk [tilespmem:v2+s11+$0x0], $0xffff;
	_ =	sdelay $0x4  }
0x126: {  	s30 =	rddreg [dreg:$0x14];
	[tilespmem:$0x15B0] =	vst v2  }
0x127: {  	[tilespmem:s14], [sflag:$0x2] =	stream.indirect.gather [spmem:s1], $0x80, s30, s12, $0xb8;
	[tilespmem:$0x11C00] =	vst v63  }
0x128: {  	v2 =	vld [tilespmem:s6+$0x80];
	_ =	sdelay $0x7  }
0x129: {  	v2 =	vld.idx.msk [tilespmem:v2+s11+$0x0], $0xffff;
	_ =	sdelay $0x4  }
0x12a: {  	[tilespmem:$0x1600] =	vst v2  }
0x12b: {  	v2 =	vld [tilespmem:s6+$0x90];
	_ =	sdelay $0x7  }
0x12c: {  	v2 =	vld.idx.msk [tilespmem:v2+s11+$0x0], $0xffff;
	_ =	sdelay $0x4  }
0x12d: {  	[tilespmem:$0x1610] =	vst v2  }
0x12e: {  	v2 =	vld [tilespmem:s6+$0xA0];
	_ =	sdelay $0x7  }
0x12f: {  	v2 =	vld.idx.msk [tilespmem:v2+s11+$0x0], $0xffff;
	_ =	sdelay $0x4  }
0x130: {  	[tilespmem:$0x1620] =	vst v2  }
0x131: {  	v2 =	vld [tilespmem:s6+$0xB0];
	_ =	sdelay $0x7  }
0x132: {  	v2 =	vld.idx.msk [tilespmem:v2+s11+$0x0], $0xffff;
	_ =	sdelay $0x4  }
0x133: {  	s31 =	rddreg [dreg:$0x15];
	[tilespmem:$0x1630] =	vst v2  }
0x134: {  	[tilespmem:s15], [sflag:$0x3] =	stream.indirect.gather [spmem:s1], $0x80, s31, s12, $0xb8;
	[tilespmem:$0x11C00] =	vst v63  }
0x135: {  	v2 =	vld [tilespmem:s6+$0xC0];
	_ =	sdelay $0x7  }
0x136: {  	v2 =	vld.idx.msk [tilespmem:v2+s11+$0x0], $0xffff;
	_ =	sdelay $0x4  }
0x137: {  	[tilespmem:$0x1680] =	vst v2  }
0x138: {  	v2 =	vld [tilespmem:s6+$0xD0];
	_ =	sdelay $0x7  }
0x139: {  	v2 =	vld.idx.msk [tilespmem:v2+s11+$0x0], $0xffff;
	_ =	sdelay $0x4  }
0x13a: {  	[tilespmem:$0x1690] =	vst v2  }
0x13b: {  	v2 =	vld [tilespmem:s6+$0xE0];
	_ =	sdelay $0x7  }
0x13c: {  	v2 =	vld.idx.msk [tilespmem:v2+s11+$0x0], $0xffff;
	_ =	sdelay $0x4  }
0x13d: {  	[tilespmem:$0x16A0] =	vst v2  }
0x13e: {  	v2 =	vld [tilespmem:s6+$0xF0];
	_ =	sdelay $0x7  }
0x13f: {  	v2 =	vld.idx.msk [tilespmem:v2+s11+$0x0], $0xffff;
	_ =	sdelay $0x4  }
0x140: {  	s2 =	rddreg [dreg:$0x16];
	[tilespmem:$0x16B0] =	vst v2  }
0x141: {  	[tilespmem:s16], [sflag:$0x4] =	stream.indirect.gather [spmem:s1], $0x80, s2, s12, $0xb8;
	[tilespmem:$0x11C00] =	vst v63  }
0x142: {  	v2 =	vld [tilespmem:s6+$0x100];
	_ =	sdelay $0x7  }
0x143: {  	v2 =	vld.idx.msk [tilespmem:v2+s11+$0x0], $0xffff;
	_ =	sdelay $0x4  }
0x144: {  	[tilespmem:$0x1700] =	vst v2  }
0x145: {  	v2 =	vld [tilespmem:s6+$0x110];
	_ =	sdelay $0x7  }
0x146: {  	v2 =	vld.idx.msk [tilespmem:v2+s11+$0x0], $0xffff;
	_ =	sdelay $0x4  }
0x147: {  	[tilespmem:$0x1710] =	vst v2  }
0x148: {  	v2 =	vld [tilespmem:s6+$0x120];
	_ =	sdelay $0x7  }
0x149: {  	v2 =	vld.idx.msk [tilespmem:v2+s11+$0x0], $0xffff;
	_ =	sdelay $0x4  }
0x14a: {  	[tilespmem:$0x1720] =	vst v2  }
0x14b: {  	v2 =	vld [tilespmem:s6+$0x130];
	_ =	sdelay $0x7  }
0x14c: {  	v2 =	vld.idx.msk [tilespmem:v2+s11+$0x0], $0xffff;
	_ =	sdelay $0x4  }
0x14d: {  	s30 =	rddreg [dreg:$0x17];
	[tilespmem:$0x1730] =	vst v2  }
0x14e: {  	[tilespmem:s17], [sflag:$0x5] =	stream.indirect.gather [spmem:s1], $0x80, s30, s12, $0xb8;
	[tilespmem:$0x11C00] =	vst v63  }
0x14f: {  	v2 =	vld [tilespmem:s6+$0x140];
	_ =	sdelay $0x7  }
0x150: {  	v2 =	vld.idx.msk [tilespmem:v2+s11+$0x0], $0xffff;
	_ =	sdelay $0x4  }
0x151: {  	[tilespmem:$0x1780] =	vst v2  }
0x152: {  	v2 =	vld [tilespmem:s6+$0x150];
	_ =	sdelay $0x7  }
0x153: {  	v2 =	vld.idx.msk [tilespmem:v2+s11+$0x0], $0xffff;
	_ =	sdelay $0x4  }
0x154: {  	[tilespmem:$0x1790] =	vst v2  }
0x155: {  	v2 =	vld [tilespmem:s6+$0x160];
	_ =	sdelay $0x7  }
0x156: {  	v2 =	vld.idx.msk [tilespmem:v2+s11+$0x0], $0xffff;
	_ =	sdelay $0x4  }
0x157: {  	[tilespmem:$0x17A0] =	vst v2  }
0x158: {  	v2 =	vld [tilespmem:s6+$0x170];
	_ =	sdelay $0x7  }
0x159: {  	v2 =	vld.idx.msk [tilespmem:v2+s11+$0x0], $0xffff;
	_ =	sdelay $0x4  }
0x15a: {  	s31 =	rddreg [dreg:$0x18];
	[tilespmem:$0x17B0] =	vst v2  }
0x15b: {  	[tilespmem:s18], [sflag:$0x6] =	stream.indirect.gather [spmem:s1], $0x80, s31, s12, $0xb8;
	[tilespmem:$0x11C00] =	vst v63  }
0x15c: {  	v2 =	vld [tilespmem:s6+$0x180];
	_ =	sdelay $0x7  }
0x15d: {  	v2 =	vld.idx.msk [tilespmem:v2+s11+$0x0], $0xffff;
	_ =	sdelay $0x4  }
0x15e: {  	[tilespmem:$0x1800] =	vst v2  }
0x15f: {  	v2 =	vld [tilespmem:s6+$0x190];
	_ =	sdelay $0x7  }
0x160: {  	v2 =	vld.idx.msk [tilespmem:v2+s11+$0x0], $0xffff;
	_ =	sdelay $0x4  }
0x161: {  	[tilespmem:$0x1810] =	vst v2  }
0x162: {  	v2 =	vld [tilespmem:s6+$0x1A0];
	_ =	sdelay $0x7  }
0x163: {  	v2 =	vld.idx.msk [tilespmem:v2+s11+$0x0], $0xffff;
	_ =	sdelay $0x4  }
0x164: {  	[tilespmem:$0x1820] =	vst v2  }
0x165: {  	v2 =	vld [tilespmem:s6+$0x1B0];
	_ =	sdelay $0x7  }
0x166: {  	v2 =	vld.idx.msk [tilespmem:v2+s11+$0x0], $0xffff;
	_ =	sdelay $0x4  }
0x167: {  	s2 =	rddreg [dreg:$0x19];
	[tilespmem:$0x1830] =	vst v2  }
0x168: {  	[tilespmem:s19], [sflag:$0x7] =	stream.indirect.gather [spmem:s1], $0x80, s2, s12, $0xb8;
	[tilespmem:$0x11C00] =	vst v63  }
0x169: {  	v2 =	vld [tilespmem:s6+$0x1C0];
	_ =	sdelay $0x7  }
0x16a: {  	v2 =	vld.idx.msk [tilespmem:v2+s11+$0x0], $0xffff;
	_ =	sdelay $0x4  }
0x16b: {  	[tilespmem:$0x1880] =	vst v2  }
0x16c: {  	v2 =	vld [tilespmem:s6+$0x1D0];
	_ =	sdelay $0x7  }
0x16d: {  	v2 =	vld.idx.msk [tilespmem:v2+s11+$0x0], $0xffff;
	_ =	sdelay $0x4  }
0x16e: {  	[tilespmem:$0x1890] =	vst v2  }
0x16f: {  	v2 =	vld [tilespmem:s6+$0x1E0];
	_ =	sdelay $0x7  }
0x170: {  	v2 =	vld.idx.msk [tilespmem:v2+s11+$0x0], $0xffff;
	_ =	sdelay $0x4  }
0x171: {  	[tilespmem:$0x18A0] =	vst v2  }
0x172: {  	v2 =	vld [tilespmem:s6+$0x1F0];
	_ =	sdelay $0x7  }
0x173: {  	v2 =	vld.idx.msk [tilespmem:v2+s11+$0x0], $0xffff;
	_ =	sdelay $0x4  }
0x174: {  	s30 =	rddreg [dreg:$0x1a];
	[tilespmem:$0x18B0] =	vst v2  }
0x175: {  	[tilespmem:s20], [sflag:$0x8] =	stream.indirect.gather [spmem:s1], $0x80, s30, s12, $0xb8;
	[tilespmem:$0x11C00] =	vst v63  }
0x176: {  	_ =	swait.ge [sflag:s9], $0x2000  }
0x177: {  	[sflag:s9] =	ssyncset.done $0x0  }
0x178: {  	[sflag:s9] =	ssyncadd.s32 $0xFFFFE000  }
0x179: {  	[hbm4b:s5+s4] =	stream.linear.scatter [tilespmem:s13], [sflag:$0x9], $0x2000, $0x38;
	[tilespmem:$0x11C00] =	vst v63  }
0x17a: {  	_ =	swait.ge [sflag:s21], $0x2000  }
0x17b: {  	[sflag:s21] =	ssyncset.done $0x0  }
0x17c: {  	s31 =	rddreg [dreg:$0xa];
	[sflag:s21] =	ssyncadd.s32 $0xFFFFE000  }
0x17d: {  	[hbm4b:s31+s4] =	stream.linear.scatter [tilespmem:s14], [sflag:$0x9], $0x2000, $0x38;
	[tilespmem:$0x11C00] =	vst v63  }
0x17e: {  	_ =	swait.ge [sflag:s22], $0x2000  }
0x17f: {  	[sflag:s22] =	ssyncset.done $0x0  }
0x180: {  	s2 =	rddreg [dreg:$0xb];
	[sflag:s22] =	ssyncadd.s32 $0xFFFFE000  }
0x181: {  	[hbm4b:s2+s4] =	stream.linear.scatter [tilespmem:s15], [sflag:$0x9], $0x2000, $0x38;
	[tilespmem:$0x11C00] =	vst v63  }
0x182: {  	_ =	swait.ge [sflag:s23], $0x2000  }
0x183: {  	[sflag:s23] =	ssyncset.done $0x0  }
0x184: {  	s30 =	rddreg [dreg:$0xc];
	[sflag:s23] =	ssyncadd.s32 $0xFFFFE000  }
0x185: {  	[hbm4b:s30+s4] =	stream.linear.scatter [tilespmem:s16], [sflag:$0x9], $0x2000, $0x38;
	[tilespmem:$0x11C00] =	vst v63  }
0x186: {  	_ =	swait.ge [sflag:s24], $0x2000  }
0x187: {  	[sflag:s24] =	ssyncset.done $0x0  }
0x188: {  	s31 =	rddreg [dreg:$0xd];
	[sflag:s24] =	ssyncadd.s32 $0xFFFFE000  }
0x189: {  	[hbm4b:s31+s4] =	stream.linear.scatter [tilespmem:s17], [sflag:$0x9], $0x2000, $0x38;
	[tilespmem:$0x11C00] =	vst v63  }
0x18a: {  	_ =	swait.ge [sflag:s25], $0x2000  }
0x18b: {  	[sflag:s25] =	ssyncset.done $0x0  }
0x18c: {  	s2 =	rddreg [dreg:$0xe];
	[sflag:s25] =	ssyncadd.s32 $0xFFFFE000  }
0x18d: {  	[hbm4b:s2+s4] =	stream.linear.scatter [tilespmem:s18], [sflag:$0x9], $0x2000, $0x38;
	[tilespmem:$0x11C00] =	vst v63  }
0x18e: {  	_ =	swait.ge [sflag:s26], $0x2000  }
0x18f: {  	[sflag:s26] =	ssyncset.done $0x0  }
0x190: {  	s30 =	rddreg [dreg:$0xf];
	[sflag:s26] =	ssyncadd.s32 $0xFFFFE000  }
0x191: {  	[hbm4b:s30+s4] =	stream.linear.scatter [tilespmem:s19], [sflag:$0x9], $0x2000, $0x38;
	[tilespmem:$0x11C00] =	vst v63  }
0x192: {  	_ =	swait.ge [sflag:s28], $0x2000  }
0x193: {  	[sflag:s28] =	ssyncset.done $0x0  }
0x194: {  	s31 =	rddreg [dreg:$0x10];
	[sflag:s28] =	ssyncadd.s32 $0xFFFFE000  }
0x195: {  	[hbm4b:s31+s4] =	stream.linear.scatter [tilespmem:s20], [sflag:$0x9], $0x2000, $0x38;
	[tilespmem:$0x11C00] =	vst v63  }
0x196: {  	_ =	swait.ge [sflag:s29], $0x2000  }
0x197: {  	[sflag:s29] =	ssyncset.done $0x0  }
0x198: {  	[sflag:s29] =	ssyncadd.s32 $0xFFFFE000  }
0x199: {  	_ =	swait.ge [sflag:s29], $0x2000  }
0x19a: {  	[sflag:s29] =	ssyncset.done $0x0  }
0x19b: {  	[sflag:s29] =	ssyncadd.s32 $0xFFFFE000  }
0x19c: {  	_ =	swait.ge [sflag:s29], $0x2000  }
0x19d: {  	[sflag:s29] =	ssyncset.done $0x0  }
0x19e: {  	[sflag:s29] =	ssyncadd.s32 $0xFFFFE000  }
0x19f: {  	_ =	swait.ge [sflag:s29], $0x2000  }
0x1a0: {  	[sflag:s29] =	ssyncset.done $0x0  }
0x1a1: {  	[sflag:s29] =	ssyncadd.s32 $0xFFFFE000  }
0x1a2: {  	_ =	swait.ge [sflag:s29], $0x2000  }
0x1a3: {  	[sflag:s29] =	ssyncset.done $0x0  }
0x1a4: {  	[sflag:s29] =	ssyncadd.s32 $0xFFFFE000  }
0x1a5: {  	_ =	swait.ge [sflag:s29], $0x2000  }
0x1a6: {  	[sflag:s29] =	ssyncset.done $0x0  }
0x1a7: {  	[sflag:s29] =	ssyncadd.s32 $0xFFFFE000  }
0x1a8: {  	p0 =	sne.s32 s7, $0x1;
	_ =	swait.ge [sflag:s29], $0x2000  }
.Ltmp0:
0x1a9: {  	[sflag:s29] =	ssyncset.done $0x0;
	(pc) =	sbr.rel @p0 .LBB2_1-.Ltmp0, $4  }
0x1aa: {  	[sflag:s29] =	ssyncadd.s32 $0xFFFFE000  }
0x1ab: {  	_ =	swait.ge [sflag:s29], $0x2000  }
0x1ac: {  	[sflag:s29] =	ssyncset.done $0x0  }
0x1ad: {  	s7 =	sadd.s32 $0xFFFFFFFF, s7;
	[sflag:s29] =	ssyncadd.s32 $0xFFFFE000  }
0x1ae: {  	_ =	sfence.sel $0x180000  }
0x1af: {  	[bflag:$0x0] =	sbarrier.arrive $0xFFFF  }
0x1b0: {  	_ =	strace $0x90000047  }
0x1b1: {  	s0 =	stileid.u32;
	[bflag:$0x2] =	sbarrier.arrive $0xFFFF  }
0x1b2: {  	p0 =	sne.s32 s0, $0x0;
	s0 =	rddreg [dreg:$0x5]  }
0x1b3: {  	s0 =	sadd.s32 @!p0 $0x100000, s0  }
0x1b4: {  	[sflag:s0] =	ssyncadd.tile.s32 @!p0 $0x1;
	_ =	shalt  }
.Lfunc_end2:
_tile_overlayer_lowered:
.L_overlay_start_2:
0x1b5: {  	(tag) =	ssettag $0x2  }
0x1b6: {  	s0 =	rddreg [dreg:$0x0];
	s2 =	stileid.u32  }
0x1b7: {  	s1 =	rddreg [dreg:$0x1];
	p0 =	sne.s32 s2, $0x0  }
0x1b8: {  	s3 =	rddreg [dreg:$0x2];
	[bflag:$0x3] =	sbarrier.arrive $0xFFFF;
	s2 =	simm.s32 @!p0 $0x1C0A  }
0x1b9: {  	[timem:s3], [sflag:s2] =	dma.local @!p0 [hbm:s0], s1  }
0x1ba: {  	s0 =	simm.s32 @!p0 $0xA  }
0x1bb: {  	_ =	swait.ge @!p0 [sflag:s0], s1  }
0x1bc: {  	s1 =	ssub.s32 @!p0 $0x0, s1;
	[sflag:s0] =	ssyncset.done @!p0 $0x0  }
0x1bd: {  	[sflag:s0] =	ssyncadd.s32 @!p0 s1  }
0x1be: {  	[bflag:$0x3] =	sbarrier.arrive $0xFFFF  }
0x1bf: {  	_ =	shalt  }

</sc_bundles>
